<compile_context>
chip_gen: v7x
topology: tpu7x:2x2x1
jax: 0.10.2.dev20260603
libtpu: 0.0.44.dev20260713+nightly
codegen_flags: <defaults>
</compile_context>

<pallas_src>
import functools

import jax
import jax.numpy as jnp
from jax import lax
from jax.experimental import pallas as pl
from jax.experimental.pallas import tpu as pltpu
from jax.experimental.pallas import tpu_sc as plsc

D_MODEL = 768
SEQ = 2048
BATCH = 4
NC = 2
NS = 16
L = 16
NW = NC * NS
POS_PER_W = SEQ // NW
CHUNK = 16
POS_CHUNKS = POS_PER_W // CHUNK
N_CHUNKS = BATCH * POS_CHUNKS
VECS_PER_ROW = D_MODEL // L
NBUF = 4
N_POS_BUF = 2


def _sc_embed(idx_hbm, table_hbm, pos_hbm):
    mesh = plsc.VectorSubcoreMesh(core_axis_name="c", subcore_axis_name="s")

    @functools.partial(
        pl.kernel,
        out_type=(
            jax.ShapeDtypeStruct((BATCH * SEQ, D_MODEL), jnp.float32),
            jax.ShapeDtypeStruct((BATCH * SEQ, D_MODEL), jnp.float32),
        ),
        mesh=mesh,
        scratch_types=[
            pltpu.VMEM((BATCH, POS_PER_W), jnp.int32),
            pltpu.VMEM_SHARED(
                (NS, N_POS_BUF, CHUNK, D_MODEL), jnp.float32),
            pltpu.VMEM((NBUF, CHUNK, D_MODEL), jnp.float32),
            pltpu.VMEM((NBUF, CHUNK, D_MODEL), jnp.float32),
            pltpu.SemaphoreType.DMA((BATCH,)),
            pltpu.SemaphoreType.DMA,
            pltpu.SemaphoreType.DMA((NBUF,)),
            pltpu.SemaphoreType.DMA((NBUF,)),
            pltpu.SemaphoreType.DMA((NBUF,)),
            pltpu.SemaphoreType.DMA((NBUF,)),
        ],
    )
    def k(idx_ref, table_ref, pos_ref, emb_out, wo_out,
          idx_v, pos_v, rows_v, emb_v, isem, psem, gsem, wsem, csem, esem):
        sid = lax.axis_index("s")
        wid = sid * NC + lax.axis_index("c")
        pos_base = wid * POS_PER_W

        def pos_load(c):
            return pltpu.async_copy(
                pos_ref.at[pl.ds(pos_base + c * CHUNK, CHUNK)],
                pos_v.at[sid, lax.rem(c, N_POS_BUF)], psem)

        def gather(c, b, p):
            return pltpu.async_copy(
                table_ref.at[idx_v.at[b, pl.ds(c * CHUNK, CHUNK)]],
                rows_v.at[p], gsem.at[p])

        def pos_init(c, p):
            return pltpu.async_copy(
                pos_v.at[sid, lax.rem(c, N_POS_BUF)], emb_v.at[p],
                csem.at[p])

        def wo_write(c, b, p):
            return pltpu.async_copy(
                rows_v.at[p],
                wo_out.at[pl.ds(b * SEQ + pos_base + c * CHUNK, CHUNK)],
                wsem.at[p])

        def emb_write(c, b, p):
            return pltpu.async_copy(
                emb_v.at[p],
                emb_out.at[pl.ds(b * SEQ + pos_base + c * CHUNK, CHUNK)],
                esem.at[p])

        def wait_w(p):
            pltpu.make_async_copy(
                rows_v.at[p], wo_out.at[pl.ds(0, CHUNK)], wsem.at[p]).wait()

        def wait_e(p):
            pltpu.make_async_copy(
                emb_v.at[p], emb_out.at[pl.ds(0, CHUNK)], esem.at[p]).wait()

        pl0 = pos_load(0)
        idx_cps = [
            pltpu.async_copy(
                idx_ref.at[b, pl.ds(pos_base, POS_PER_W)], idx_v.at[b],
                isem.at[b])
            for b in range(BATCH)
        ]
        idx_cps[0].wait()
        gather(0, 0, 0)
        idx_cps[1].wait()
        gather(0, 1, 1)
        pl0.wait()
        pos_init(0, 0)
        pos_init(0, 1)

        def chunk(i, carry):
            c = lax.div(i, BATCH)
            b = lax.rem(i, BATCH)
            p = lax.rem(i, NBUF)

            @pl.when(i + 2 < N_CHUNKS)
            def _():
                i2 = i + 2
                p2 = lax.rem(i2, NBUF)

                @pl.when(i >= 2)
                def _():
                    wait_w(p2)
                    wait_e(p2)

                c2 = lax.div(i2, BATCH)
                b2 = lax.rem(i2, BATCH)

                @pl.when(i < 2)
                def _():
                    pltpu.make_async_copy(
                        idx_ref.at[b2, pl.ds(pos_base, POS_PER_W)],
                        idx_v.at[b2], isem.at[b2]).wait()

                @pl.when(b2 == 0)
                def _():
                    pltpu.make_async_copy(
                        pos_ref.at[pl.ds(pos_base, CHUNK)],
                        pos_v.at[sid, lax.rem(c2, N_POS_BUF)], psem).wait()

                gather(c2, b2, p2)
                pos_init(c2, p2)

            @pl.when(jnp.logical_and(b == 0, c + 1 < POS_CHUNKS))
            def _():
                pos_load(c + 1)

            pltpu.make_async_copy(
                table_ref.at[idx_v.at[b, pl.ds(c * CHUNK, CHUNK)]],
                rows_v.at[p], gsem.at[p]).wait()
            wo_write(c, b, p)
            pltpu.make_async_copy(
                pos_v.at[sid, lax.rem(c, N_POS_BUF)], emb_v.at[p],
                csem.at[p]).wait()

            def body(r, carry2):
                for kk in range(VECS_PER_ROW):
                    sl = pl.ds(kk * L, L)
                    plsc.addupdate(emb_v.at[p, r, sl], rows_v[p, r, sl])
                return carry2

            lax.fori_loop(0, CHUNK, body, 0)
            emb_write(c, b, p)
            return carry

        lax.fori_loop(0, N_CHUNKS, chunk, 0)

        for p in range(NBUF):
            wait_w(p)
            wait_e(p)

    return k(idx_hbm, table_hbm, pos_hbm)


def kernel(inputs, token_embeddings, position_embeddings):
    idx = inputs.astype(jnp.int32)
    emb_flat, wo_flat = _sc_embed(idx, token_embeddings, position_embeddings)
    emb = emb_flat.reshape(BATCH, SEQ, D_MODEL)
    wo = wo_flat.reshape(BATCH, SEQ, D_MODEL)
    return (emb, None, wo)

# --- scband reference (transcript-rebuilt; emitter-appended) ---
"""Pipeline reference for scband-perceiver-text-preprocessor-47287589929446 (READ-ONLY COPY).

The authoritative reference and input builder live on the scoring server;
editing this copy changes nothing except your own understanding.
"""

import jax, jax.numpy as jnp
import numpy as np

VOCAB_SIZE = 100000
D_MODEL = 768
MAX_POS = 2048
BATCH = 4
SEQ_LEN = 2048

def setup_inputs(seed: int = 0) -> dict:
    key = jax.random.key(seed)
    k1, k2, k3 = jax.random.split(key, 3)
    inputs = jax.random.randint(k1, (BATCH, SEQ_LEN), 0, VOCAB_SIZE, dtype=jnp.int64 if jax.config.jax_enable_x64 else jnp.int32)
    token_embeddings = jax.random.normal(k2, (VOCAB_SIZE, D_MODEL), dtype=jnp.float32) * 0.02
    position_embeddings = jax.random.normal(k3, (MAX_POS, D_MODEL), dtype=jnp.float32) * 0.02
    return {"inputs": inputs, "token_embeddings": token_embeddings, "position_embeddings": position_embeddings}

def reference(inputs, token_embeddings, position_embeddings):
    # embeddings_without_pos = self.embeddings(inputs)
    embeddings_without_pos = jnp.take(token_embeddings, inputs, axis=0)
    # position_ids = arange(seq_length); add position embeddings
    seq_length = inputs.shape[1]
    position_ids = jnp.arange(0, seq_length)
    pos_emb = jnp.take(position_embeddings, position_ids, axis=0)
    embeddings = embeddings_without_pos + pos_emb[None, :, :]
    return (embeddings, None, embeddings_without_pos)

if __name__ == "__main__":
    import jax
    _d = setup_inputs()
    print(jax.jit(kernel)(*tuple(_d.values())))

</pallas_src>

<mosaic_0001>
#map = affine_map<(d0, d1) -> (0, 0)>
module attributes {stable_mosaic.version = 14 : i64} {
  func.func @k(%arg0: i32, %arg1: i32, %arg2: memref<4x2048xi32, #tpu.memory_space<hbm>>, %arg3: memref<100000x768xf32, #tpu.memory_space<hbm>>, %arg4: memref<2048x768xf32, #tpu.memory_space<hbm>>, %arg5: memref<8192x768xf32, #tpu.memory_space<hbm>>, %arg6: memref<8192x768xf32, #tpu.memory_space<hbm>>, %arg7: memref<4x64xi32, #tpu.memory_space<vmem>>, %arg8: memref<16x2x16x768xf32, #tpu.memory_space<vmem_shared>>, %arg9: memref<4x16x768xf32, #tpu.memory_space<vmem>>, %arg10: memref<4x16x768xf32, #tpu.memory_space<vmem>>, %arg11: memref<4x!tpu.dma_semaphore, #tpu.memory_space<semaphore_mem>>, %arg12: memref<!tpu.dma_semaphore, #tpu.memory_space<semaphore_mem>>, %arg13: memref<4x!tpu.dma_semaphore, #tpu.memory_space<semaphore_mem>>, %arg14: memref<4x!tpu.dma_semaphore, #tpu.memory_space<semaphore_mem>>, %arg15: memref<4x!tpu.dma_semaphore, #tpu.memory_space<semaphore_mem>>, %arg16: memref<4x!tpu.dma_semaphore, #tpu.memory_space<semaphore_mem>>) attributes {dimension_semantics = [#tpu.dimension_semantics<core_parallel>, #tpu.dimension_semantics<subcore_parallel>], iteration_bounds = array<i64: 2, 16>, scalar_prefetch = 0 : i64, scratch_operands = 10 : i64, tpu.core_type = #tpu.core_type<sc_vector_subcore>, window_params = [{transform_indices = #map}, {transform_indices = #map}, {transform_indices = #map}, {transform_indices = #map}, {transform_indices = #map}]} {
    %mul3A = arith.constant 2 : i32
    %mul3A_0 = arith.muli %arg1, %mul3A : i32
    %add3A = arith.addi %mul3A_0, %arg0 : i32
    %mul3A_1 = arith.constant 64 : i32
    %mul3A_2 = arith.muli %add3A, %mul3A_1 : i32
    %add3A_3 = arith.constant 0 : i32
    %add3A_4 = arith.addi %mul3A_2, %add3A_3 : i32
    %rem3A = arith.constant 0 : i32
    %rem3A_5 = arith.constant 2 : i32
    %rem3A_6 = arith.remsi %rem3A, %rem3A_5 : i32
    %dma_start3A = arith.constant 0 : i32
    %dma_start3A_7 = arith.constant 0 : i32
    %dma_start3A_8 = tpu.memref_slice %arg8[%arg1, %rem3A_6, %dma_start3A, %dma_start3A_7] : memref<16x2x16x768xf32, #tpu.memory_space<vmem_shared>> -> memref<1x1x16x768xf32, #tpu.memory_space<vmem_shared>>
    %dma_start3A_9 = tpu.memref_squeeze %dma_start3A_8 : memref<1x1x16x768xf32, #tpu.memory_space<vmem_shared>> -> memref<16x768xf32, #tpu.memory_space<vmem_shared>>
    %dma_start3A_10 = arith.constant 0 : i32
    %dma_start3A_11 = tpu.memref_slice %arg4[%add3A_4, %dma_start3A_10] : memref<2048x768xf32, #tpu.memory_space<hbm>> -> memref<16x768xf32, #tpu.memory_space<hbm>>
    tpu.enqueue_dma source(%dma_start3A_11 : memref<16x768xf32, #tpu.memory_space<hbm>>) target(%dma_start3A_9 : memref<16x768xf32, #tpu.memory_space<vmem_shared>>) target_semaphore(%arg12 : memref<!tpu.dma_semaphore, #tpu.memory_space<semaphore_mem>>)
    %dma_start3A_12 = arith.constant 0 : i32
    %dma_start3A_13 = arith.constant 0 : i32
    %dma_start3A_14 = arith.constant 0 : i32
    %dma_start3A_15 = arith.constant 0 : i32
    %dma_start3A_16 = tpu.memref_slice %arg7[%dma_start3A_13, %dma_start3A_15] : memref<4x64xi32, #tpu.memory_space<vmem>> -> memref<1x64xi32, #tpu.memory_space<vmem>>
    %dma_start3A_17 = tpu.memref_squeeze %dma_start3A_16 : memref<1x64xi32, #tpu.memory_space<vmem>> -> memref<64xi32, #tpu.memory_space<vmem>>
    %dma_start3A_18 = tpu.memref_slice %arg2[%dma_start3A_12, %mul3A_2] : memref<4x2048xi32, #tpu.memory_space<hbm>> -> memref<1x64xi32, #tpu.memory_space<hbm>>
    %dma_start3A_19 = tpu.memref_squeeze %dma_start3A_18 : memref<1x64xi32, #tpu.memory_space<hbm>> -> memref<64xi32, #tpu.memory_space<hbm>>
    %dma_start3A_20 = tpu.memref_slice %arg11[%dma_start3A_14] : memref<4x!tpu.dma_semaphore, #tpu.memory_space<semaphore_mem>> -> memref<1x!tpu.dma_semaphore, #tpu.memory_space<semaphore_mem>>
    %dma_start3A_21 = tpu.memref_squeeze %dma_start3A_20 : memref<1x!tpu.dma_semaphore, #tpu.memory_space<semaphore_mem>> -> memref<!tpu.dma_semaphore, #tpu.memory_space<semaphore_mem>>
    %dma_start3A_22 = arith.constant 0 : i32
    %dma_start3A_23 = tpu.memref_slice %arg7[%dma_start3A_13, %dma_start3A_22] : memref<4x64xi32, #tpu.memory_space<vmem>> -> memref<1x64xi32, #tpu.memory_space<vmem>>
    %dma_start3A_24 = tpu.memref_squeeze %dma_start3A_23 : memref<1x64xi32, #tpu.memory_space<vmem>> -> memref<64xi32, #tpu.memory_space<vmem>>
    %dma_start3A_25 = tpu.memref_slice %arg2[%dma_start3A_12, %mul3A_2] : memref<4x2048xi32, #tpu.memory_space<hbm>> -> memref<1x64xi32, #tpu.memory_space<hbm>>
    %dma_start3A_26 = tpu.memref_squeeze %dma_start3A_25 : memref<1x64xi32, #tpu.memory_space<hbm>> -> memref<64xi32, #tpu.memory_space<hbm>>
    tpu.enqueue_dma source(%dma_start3A_26 : memref<64xi32, #tpu.memory_space<hbm>>) target(%dma_start3A_24 : memref<64xi32, #tpu.memory_space<vmem>>) target_semaphore(%dma_start3A_21 : memref<!tpu.dma_semaphore, #tpu.memory_space<semaphore_mem>>)
    %dma_start3A_27 = arith.constant 1 : i32
    %dma_start3A_28 = arith.constant 1 : i32
    %dma_start3A_29 = arith.constant 1 : i32
    %dma_start3A_30 = arith.constant 0 : i32
    %dma_start3A_31 = tpu.memref_slice %arg7[%dma_start3A_28, %dma_start3A_30] : memref<4x64xi32, #tpu.memory_space<vmem>> -> memref<1x64xi32, #tpu.memory_space<vmem>>
    %dma_start3A_32 = tpu.memref_squeeze %dma_start3A_31 : memref<1x64xi32, #tpu.memory_space<vmem>> -> memref<64xi32, #tpu.memory_space<vmem>>
    %dma_start3A_33 = tpu.memref_slice %arg2[%dma_start3A_27, %mul3A_2] : memref<4x2048xi32, #tpu.memory_space<hbm>> -> memref<1x64xi32, #tpu.memory_space<hbm>>
    %dma_start3A_34 = tpu.memref_squeeze %dma_start3A_33 : memref<1x64xi32, #tpu.memory_space<hbm>> -> memref<64xi32, #tpu.memory_space<hbm>>
    %dma_start3A_35 = tpu.memref_slice %arg11[%dma_start3A_29] : memref<4x!tpu.dma_semaphore, #tpu.memory_space<semaphore_mem>> -> memref<1x!tpu.dma_semaphore, #tpu.memory_space<semaphore_mem>>
    %dma_start3A_36 = tpu.memref_squeeze %dma_start3A_35 : memref<1x!tpu.dma_semaphore, #tpu.memory_space<semaphore_mem>> -> memref<!tpu.dma_semaphore, #tpu.memory_space<semaphore_mem>>
    %dma_start3A_37 = arith.constant 0 : i32
    %dma_start3A_38 = tpu.memref_slice %arg7[%dma_start3A_28, %dma_start3A_37] : memref<4x64xi32, #tpu.memory_space<vmem>> -> memref<1x64xi32, #tpu.memory_space<vmem>>
    %dma_start3A_39 = tpu.memref_squeeze %dma_start3A_38 : memref<1x64xi32, #tpu.memory_space<vmem>> -> memref<64xi32, #tpu.memory_space<vmem>>
    %dma_start3A_40 = tpu.memref_slice %arg2[%dma_start3A_27, %mul3A_2] : memref<4x2048xi32, #tpu.memory_space<hbm>> -> memref<1x64xi32, #tpu.memory_space<hbm>>
    %dma_start3A_41 = tpu.memref_squeeze %dma_start3A_40 : memref<1x64xi32, #tpu.memory_space<hbm>> -> memref<64xi32, #tpu.memory_space<hbm>>
    tpu.enqueue_dma source(%dma_start3A_41 : memref<64xi32, #tpu.memory_space<hbm>>) target(%dma_start3A_39 : memref<64xi32, #tpu.memory_space<vmem>>) target_semaphore(%dma_start3A_36 : memref<!tpu.dma_semaphore, #tpu.memory_space<semaphore_mem>>)
    %dma_start3A_42 = arith.constant 2 : i32
    %dma_start3A_43 = arith.constant 2 : i32
    %dma_start3A_44 = arith.constant 2 : i32
    %dma_start3A_45 = arith.constant 0 : i32
    %dma_start3A_46 = tpu.memref_slice %arg7[%dma_start3A_43, %dma_start3A_45] : memref<4x64xi32, #tpu.memory_space<vmem>> -> memref<1x64xi32, #tpu.memory_space<vmem>>
    %dma_start3A_47 = tpu.memref_squeeze %dma_start3A_46 : memref<1x64xi32, #tpu.memory_space<vmem>> -> memref<64xi32, #tpu.memory_space<vmem>>
    %dma_start3A_48 = tpu.memref_slice %arg2[%dma_start3A_42, %mul3A_2] : memref<4x2048xi32, #tpu.memory_space<hbm>> -> memref<1x64xi32, #tpu.memory_space<hbm>>
    %dma_start3A_49 = tpu.memref_squeeze %dma_start3A_48 : memref<1x64xi32, #tpu.memory_space<hbm>> -> memref<64xi32, #tpu.memory_space<hbm>>
    %dma_start3A_50 = tpu.memref_slice %arg11[%dma_start3A_44] : memref<4x!tpu.dma_semaphore, #tpu.memory_space<semaphore_mem>> -> memref<1x!tpu.dma_semaphore, #tpu.memory_space<semaphore_mem>>
    %dma_start3A_51 = tpu.memref_squeeze %dma_start3A_50 : memref<1x!tpu.dma_semaphore, #tpu.memory_space<semaphore_mem>> -> memref<!tpu.dma_semaphore, #tpu.memory_space<semaphore_mem>>
    %dma_start3A_52 = arith.constant 0 : i32
    %dma_start3A_53 = tpu.memref_slice %arg7[%dma_start3A_43, %dma_start3A_52] : memref<4x64xi32, #tpu.memory_space<vmem>> -> memref<1x64xi32, #tpu.memory_space<vmem>>
    %dma_start3A_54 = tpu.memref_squeeze %dma_start3A_53 : memref<1x64xi32, #tpu.memory_space<vmem>> -> memref<64xi32, #tpu.memory_space<vmem>>
    %dma_start3A_55 = tpu.memref_slice %arg2[%dma_start3A_42, %mul3A_2] : memref<4x2048xi32, #tpu.memory_space<hbm>> -> memref<1x64xi32, #tpu.memory_space<hbm>>
    %dma_start3A_56 = tpu.memref_squeeze %dma_start3A_55 : memref<1x64xi32, #tpu.memory_space<hbm>> -> memref<64xi32, #tpu.memory_space<hbm>>
    tpu.enqueue_dma source(%dma_start3A_56 : memref<64xi32, #tpu.memory_space<hbm>>) target(%dma_start3A_54 : memref<64xi32, #tpu.memory_space<vmem>>) target_semaphore(%dma_start3A_51 : memref<!tpu.dma_semaphore, #tpu.memory_space<semaphore_mem>>)
    %dma_start3A_57 = arith.constant 3 : i32
    %dma_start3A_58 = arith.constant 3 : i32
    %dma_start3A_59 = arith.constant 3 : i32
    %dma_start3A_60 = arith.constant 0 : i32
    %dma_start3A_61 = tpu.memref_slice %arg7[%dma_start3A_58, %dma_start3A_60] : memref<4x64xi32, #tpu.memory_space<vmem>> -> memref<1x64xi32, #tpu.memory_space<vmem>>
    %dma_start3A_62 = tpu.memref_squeeze %dma_start3A_61 : memref<1x64xi32, #tpu.memory_space<vmem>> -> memref<64xi32, #tpu.memory_space<vmem>>
    %dma_start3A_63 = tpu.memref_slice %arg2[%dma_start3A_57, %mul3A_2] : memref<4x2048xi32, #tpu.memory_space<hbm>> -> memref<1x64xi32, #tpu.memory_space<hbm>>
    %dma_start3A_64 = tpu.memref_squeeze %dma_start3A_63 : memref<1x64xi32, #tpu.memory_space<hbm>> -> memref<64xi32, #tpu.memory_space<hbm>>
    %dma_start3A_65 = tpu.memref_slice %arg11[%dma_start3A_59] : memref<4x!tpu.dma_semaphore, #tpu.memory_space<semaphore_mem>> -> memref<1x!tpu.dma_semaphore, #tpu.memory_space<semaphore_mem>>
    %dma_start3A_66 = tpu.memref_squeeze %dma_start3A_65 : memref<1x!tpu.dma_semaphore, #tpu.memory_space<semaphore_mem>> -> memref<!tpu.dma_semaphore, #tpu.memory_space<semaphore_mem>>
    %dma_start3A_67 = arith.constant 0 : i32
    %dma_start3A_68 = tpu.memref_slice %arg7[%dma_start3A_58, %dma_start3A_67] : memref<4x64xi32, #tpu.memory_space<vmem>> -> memref<1x64xi32, #tpu.memory_space<vmem>>
    %dma_start3A_69 = tpu.memref_squeeze %dma_start3A_68 : memref<1x64xi32, #tpu.memory_space<vmem>> -> memref<64xi32, #tpu.memory_space<vmem>>
    %dma_start3A_70 = tpu.memref_slice %arg2[%dma_start3A_57, %mul3A_2] : memref<4x2048xi32, #tpu.memory_space<hbm>> -> memref<1x64xi32, #tpu.memory_space<hbm>>
    %dma_start3A_71 = tpu.memref_squeeze %dma_start3A_70 : memref<1x64xi32, #tpu.memory_space<hbm>> -> memref<64xi32, #tpu.memory_space<hbm>>
    tpu.enqueue_dma source(%dma_start3A_71 : memref<64xi32, #tpu.memory_space<hbm>>) target(%dma_start3A_69 : memref<64xi32, #tpu.memory_space<vmem>>) target_semaphore(%dma_start3A_66 : memref<!tpu.dma_semaphore, #tpu.memory_space<semaphore_mem>>)
    %dma_wait3A = arith.constant 0 : i32
    %dma_wait3A_72 = arith.constant 0 : i32
    %dma_wait3A_73 = arith.constant 0 : i32
    %dma_wait3A_74 = arith.constant 0 : i32
    %dma_wait3A_75 = tpu.memref_slice %arg7[%dma_wait3A_72, %dma_wait3A_74] : memref<4x64xi32, #tpu.memory_space<vmem>> -> memref<1x64xi32, #tpu.memory_space<vmem>>
    %dma_wait3A_76 = tpu.memref_squeeze %dma_wait3A_75 : memref<1x64xi32, #tpu.memory_space<vmem>> -> memref<64xi32, #tpu.memory_space<vmem>>
    %dma_wait3A_77 = tpu.memref_slice %arg2[%dma_wait3A, %mul3A_2] : memref<4x2048xi32, #tpu.memory_space<hbm>> -> memref<1x64xi32, #tpu.memory_space<hbm>>
    %dma_wait3A_78 = tpu.memref_squeeze %dma_wait3A_77 : memref<1x64xi32, #tpu.memory_space<hbm>> -> memref<64xi32, #tpu.memory_space<hbm>>
    %dma_wait3A_79 = tpu.memref_slice %arg11[%dma_wait3A_73] : memref<4x!tpu.dma_semaphore, #tpu.memory_space<semaphore_mem>> -> memref<1x!tpu.dma_semaphore, #tpu.memory_space<semaphore_mem>>
    %dma_wait3A_80 = tpu.memref_squeeze %dma_wait3A_79 : memref<1x!tpu.dma_semaphore, #tpu.memory_space<semaphore_mem>> -> memref<!tpu.dma_semaphore, #tpu.memory_space<semaphore_mem>>
    %dma_wait3A_81 = arith.constant 0 : i32
    %dma_wait3A_82 = tpu.memref_slice %arg7[%dma_wait3A_72, %dma_wait3A_81] : memref<4x64xi32, #tpu.memory_space<vmem>> -> memref<1x64xi32, #tpu.memory_space<vmem>>
    %dma_wait3A_83 = tpu.memref_squeeze %dma_wait3A_82 : memref<1x64xi32, #tpu.memory_space<vmem>> -> memref<64xi32, #tpu.memory_space<vmem>>
    %dma_wait3A_84 = tpu.memref_slice %arg2[%dma_wait3A, %mul3A_2] : memref<4x2048xi32, #tpu.memory_space<hbm>> -> memref<1x64xi32, #tpu.memory_space<hbm>>
    %dma_wait3A_85 = tpu.memref_squeeze %dma_wait3A_84 : memref<1x64xi32, #tpu.memory_space<hbm>> -> memref<64xi32, #tpu.memory_space<hbm>>
    tpu.wait_dma2 semaphore(%dma_wait3A_80 : memref<!tpu.dma_semaphore, #tpu.memory_space<semaphore_mem>>) src(%dma_wait3A_85 : memref<64xi32, #tpu.memory_space<hbm>>) dst(%dma_wait3A_83 : memref<64xi32, #tpu.memory_space<vmem>>)
    %dma_start3A_86 = arith.constant 0 : i32
    %dma_start3A_87 = arith.constant 0 : i32
    %dma_start3A_88 = arith.constant 0 : i32
    %dma_start3A_89 = arith.constant 0 : i32
    %dma_start3A_90 = arith.constant 0 : i32
    %dma_start3A_91 = tpu.memref_slice %arg9[%dma_start3A_87, %dma_start3A_89, %dma_start3A_90] : memref<4x16x768xf32, #tpu.memory_space<vmem>> -> memref<1x16x768xf32, #tpu.memory_space<vmem>>
    %dma_start3A_92 = tpu.memref_squeeze %dma_start3A_91 : memref<1x16x768xf32, #tpu.memory_space<vmem>> -> memref<16x768xf32, #tpu.memory_space<vmem>>
    %dma_start3A_93 = arith.constant 0 : i32
    %dma_start3A_94 = tpu.memref_slice %arg7[%dma_start3A_86, %dma_start3A_93] : memref<4x64xi32, #tpu.memory_space<vmem>> -> memref<1x16xi32, #tpu.memory_space<vmem>>
    %dma_start3A_95 = tpu.memref_squeeze %dma_start3A_94 : memref<1x16xi32, #tpu.memory_space<vmem>> -> memref<16xi32, #tpu.memory_space<vmem>>
    %dma_start3A_96 = arith.constant 0 : i32
    %dma_start3A_97 = arith.constant 0 : i32
    %dma_start3A_98 = tpu.memref_slice %arg3[%dma_start3A_96, %dma_start3A_97] : memref<100000x768xf32, #tpu.memory_space<hbm>> -> memref<100000x768xf32, #tpu.memory_space<hbm>>
    %dma_start3A_99 = tpu.memref_slice %arg13[%dma_start3A_88] : memref<4x!tpu.dma_semaphore, #tpu.memory_space<semaphore_mem>> -> memref<1x!tpu.dma_semaphore, #tpu.memory_space<semaphore_mem>>
    %dma_start3A_100 = tpu.memref_squeeze %dma_start3A_99 : memref<1x!tpu.dma_semaphore, #tpu.memory_space<semaphore_mem>> -> memref<!tpu.dma_semaphore, #tpu.memory_space<semaphore_mem>>
    tpu.enqueue_indirect_dma source(%dma_start3A_98 : memref<100000x768xf32, #tpu.memory_space<hbm>>) target(%dma_start3A_92 : memref<16x768xf32, #tpu.memory_space<vmem>>) offsets(%dma_start3A_95 : memref<16xi32, #tpu.memory_space<vmem>>) semaphore(%dma_start3A_100 : memref<!tpu.dma_semaphore, #tpu.memory_space<semaphore_mem>>)
    %dma_wait3A_101 = arith.constant 1 : i32
    %dma_wait3A_102 = arith.constant 1 : i32
    %dma_wait3A_103 = arith.constant 1 : i32
    %dma_wait3A_104 = arith.constant 0 : i32
    %dma_wait3A_105 = tpu.memref_slice %arg7[%dma_wait3A_102, %dma_wait3A_104] : memref<4x64xi32, #tpu.memory_space<vmem>> -> memref<1x64xi32, #tpu.memory_space<vmem>>
    %dma_wait3A_106 = tpu.memref_squeeze %dma_wait3A_105 : memref<1x64xi32, #tpu.memory_space<vmem>> -> memref<64xi32, #tpu.memory_space<vmem>>
    %dma_wait3A_107 = tpu.memref_slice %arg2[%dma_wait3A_101, %mul3A_2] : memref<4x2048xi32, #tpu.memory_space<hbm>> -> memref<1x64xi32, #tpu.memory_space<hbm>>
    %dma_wait3A_108 = tpu.memref_squeeze %dma_wait3A_107 : memref<1x64xi32, #tpu.memory_space<hbm>> -> memref<64xi32, #tpu.memory_space<hbm>>
    %dma_wait3A_109 = tpu.memref_slice %arg11[%dma_wait3A_103] : memref<4x!tpu.dma_semaphore, #tpu.memory_space<semaphore_mem>> -> memref<1x!tpu.dma_semaphore, #tpu.memory_space<semaphore_mem>>
    %dma_wait3A_110 = tpu.memref_squeeze %dma_wait3A_109 : memref<1x!tpu.dma_semaphore, #tpu.memory_space<semaphore_mem>> -> memref<!tpu.dma_semaphore, #tpu.memory_space<semaphore_mem>>
    %dma_wait3A_111 = arith.constant 0 : i32
    %dma_wait3A_112 = tpu.memref_slice %arg7[%dma_wait3A_102, %dma_wait3A_111] : memref<4x64xi32, #tpu.memory_space<vmem>> -> memref<1x64xi32, #tpu.memory_space<vmem>>
    %dma_wait3A_113 = tpu.memref_squeeze %dma_wait3A_112 : memref<1x64xi32, #tpu.memory_space<vmem>> -> memref<64xi32, #tpu.memory_space<vmem>>
    %dma_wait3A_114 = tpu.memref_slice %arg2[%dma_wait3A_101, %mul3A_2] : memref<4x2048xi32, #tpu.memory_space<hbm>> -> memref<1x64xi32, #tpu.memory_space<hbm>>
    %dma_wait3A_115 = tpu.memref_squeeze %dma_wait3A_114 : memref<1x64xi32, #tpu.memory_space<hbm>> -> memref<64xi32, #tpu.memory_space<hbm>>
    tpu.wait_dma2 semaphore(%dma_wait3A_110 : memref<!tpu.dma_semaphore, #tpu.memory_space<semaphore_mem>>) src(%dma_wait3A_115 : memref<64xi32, #tpu.memory_space<hbm>>) dst(%dma_wait3A_113 : memref<64xi32, #tpu.memory_space<vmem>>)
    %dma_start3A_116 = arith.constant 1 : i32
    %dma_start3A_117 = arith.constant 1 : i32
    %dma_start3A_118 = arith.constant 1 : i32
    %dma_start3A_119 = arith.constant 0 : i32
    %dma_start3A_120 = arith.constant 0 : i32
    %dma_start3A_121 = tpu.memref_slice %arg9[%dma_start3A_117, %dma_start3A_119, %dma_start3A_120] : memref<4x16x768xf32, #tpu.memory_space<vmem>> -> memref<1x16x768xf32, #tpu.memory_space<vmem>>
    %dma_start3A_122 = tpu.memref_squeeze %dma_start3A_121 : memref<1x16x768xf32, #tpu.memory_space<vmem>> -> memref<16x768xf32, #tpu.memory_space<vmem>>
    %dma_start3A_123 = arith.constant 0 : i32
    %dma_start3A_124 = tpu.memref_slice %arg7[%dma_start3A_116, %dma_start3A_123] : memref<4x64xi32, #tpu.memory_space<vmem>> -> memref<1x16xi32, #tpu.memory_space<vmem>>
    %dma_start3A_125 = tpu.memref_squeeze %dma_start3A_124 : memref<1x16xi32, #tpu.memory_space<vmem>> -> memref<16xi32, #tpu.memory_space<vmem>>
    %dma_start3A_126 = arith.constant 0 : i32
    %dma_start3A_127 = arith.constant 0 : i32
    %dma_start3A_128 = tpu.memref_slice %arg3[%dma_start3A_126, %dma_start3A_127] : memref<100000x768xf32, #tpu.memory_space<hbm>> -> memref<100000x768xf32, #tpu.memory_space<hbm>>
    %dma_start3A_129 = tpu.memref_slice %arg13[%dma_start3A_118] : memref<4x!tpu.dma_semaphore, #tpu.memory_space<semaphore_mem>> -> memref<1x!tpu.dma_semaphore, #tpu.memory_space<semaphore_mem>>
    %dma_start3A_130 = tpu.memref_squeeze %dma_start3A_129 : memref<1x!tpu.dma_semaphore, #tpu.memory_space<semaphore_mem>> -> memref<!tpu.dma_semaphore, #tpu.memory_space<semaphore_mem>>
    tpu.enqueue_indirect_dma source(%dma_start3A_128 : memref<100000x768xf32, #tpu.memory_space<hbm>>) target(%dma_start3A_122 : memref<16x768xf32, #tpu.memory_space<vmem>>) offsets(%dma_start3A_125 : memref<16xi32, #tpu.memory_space<vmem>>) semaphore(%dma_start3A_130 : memref<!tpu.dma_semaphore, #tpu.memory_space<semaphore_mem>>)
    %dma_wait3A_131 = arith.constant 0 : i32
    %dma_wait3A_132 = arith.constant 0 : i32
    %dma_wait3A_133 = tpu.memref_slice %arg8[%arg1, %rem3A_6, %dma_wait3A_131, %dma_wait3A_132] : memref<16x2x16x768xf32, #tpu.memory_space<vmem_shared>> -> memref<1x1x16x768xf32, #tpu.memory_space<vmem_shared>>
    %dma_wait3A_134 = tpu.memref_squeeze %dma_wait3A_133 : memref<1x1x16x768xf32, #tpu.memory_space<vmem_shared>> -> memref<16x768xf32, #tpu.memory_space<vmem_shared>>
    %dma_wait3A_135 = arith.constant 0 : i32
    %dma_wait3A_136 = tpu.memref_slice %arg4[%add3A_4, %dma_wait3A_135] : memref<2048x768xf32, #tpu.memory_space<hbm>> -> memref<16x768xf32, #tpu.memory_space<hbm>>
    tpu.wait_dma2 semaphore(%arg12 : memref<!tpu.dma_semaphore, #tpu.memory_space<semaphore_mem>>) src(%dma_wait3A_136 : memref<16x768xf32, #tpu.memory_space<hbm>>) dst(%dma_wait3A_134 : memref<16x768xf32, #tpu.memory_space<vmem_shared>>)
    %rem3A_137 = arith.constant 0 : i32
    %rem3A_138 = arith.constant 2 : i32
    %rem3A_139 = arith.remsi %rem3A_137, %rem3A_138 : i32
    %dma_start3A_140 = arith.constant 0 : i32
    %dma_start3A_141 = arith.constant 0 : i32
    %dma_start3A_142 = arith.constant 0 : i32
    %dma_start3A_143 = arith.constant 0 : i32
    %dma_start3A_144 = tpu.memref_slice %arg10[%dma_start3A_140, %dma_start3A_142, %dma_start3A_143] : memref<4x16x768xf32, #tpu.memory_space<vmem>> -> memref<1x16x768xf32, #tpu.memory_space<vmem>>
    %dma_start3A_145 = tpu.memref_squeeze %dma_start3A_144 : memref<1x16x768xf32, #tpu.memory_space<vmem>> -> memref<16x768xf32, #tpu.memory_space<vmem>>
    %dma_start3A_146 = arith.constant 0 : i32
    %dma_start3A_147 = arith.constant 0 : i32
    %dma_start3A_148 = tpu.memref_slice %arg8[%arg1, %rem3A_139, %dma_start3A_146, %dma_start3A_147] : memref<16x2x16x768xf32, #tpu.memory_space<vmem_shared>> -> memref<1x1x16x768xf32, #tpu.memory_space<vmem_shared>>
    %dma_start3A_149 = tpu.memref_squeeze %dma_start3A_148 : memref<1x1x16x768xf32, #tpu.memory_space<vmem_shared>> -> memref<16x768xf32, #tpu.memory_space<vmem_shared>>
    %dma_start3A_150 = tpu.memref_slice %arg15[%dma_start3A_141] : memref<4x!tpu.dma_semaphore, #tpu.memory_space<semaphore_mem>> -> memref<1x!tpu.dma_semaphore, #tpu.memory_space<semaphore_mem>>
    %dma_start3A_151 = tpu.memref_squeeze %dma_start3A_150 : memref<1x!tpu.dma_semaphore, #tpu.memory_space<semaphore_mem>> -> memref<!tpu.dma_semaphore, #tpu.memory_space<semaphore_mem>>
    %dma_start3A_152 = arith.constant 0 : i32
    %dma_start3A_153 = arith.constant 0 : i32
    %dma_start3A_154 = tpu.memref_slice %arg10[%dma_start3A_140, %dma_start3A_152, %dma_start3A_153] : memref<4x16x768xf32, #tpu.memory_space<vmem>> -> memref<1x16x768xf32, #tpu.memory_space<vmem>>
    %dma_start3A_155 = tpu.memref_squeeze %dma_start3A_154 : memref<1x16x768xf32, #tpu.memory_space<vmem>> -> memref<16x768xf32, #tpu.memory_space<vmem>>
    %dma_start3A_156 = arith.constant 0 : i32
    %dma_start3A_157 = arith.constant 0 : i32
    %dma_start3A_158 = tpu.memref_slice %arg8[%arg1, %rem3A_139, %dma_start3A_156, %dma_start3A_157] : memref<16x2x16x768xf32, #tpu.memory_space<vmem_shared>> -> memref<1x1x16x768xf32, #tpu.memory_space<vmem_shared>>
    %dma_start3A_159 = tpu.memref_squeeze %dma_start3A_158 : memref<1x1x16x768xf32, #tpu.memory_space<vmem_shared>> -> memref<16x768xf32, #tpu.memory_space<vmem_shared>>
    tpu.enqueue_dma source(%dma_start3A_159 : memref<16x768xf32, #tpu.memory_space<vmem_shared>>) target(%dma_start3A_155 : memref<16x768xf32, #tpu.memory_space<vmem>>) target_semaphore(%dma_start3A_151 : memref<!tpu.dma_semaphore, #tpu.memory_space<semaphore_mem>>)
    %rem3A_160 = arith.constant 0 : i32
    %rem3A_161 = arith.constant 2 : i32
    %rem3A_162 = arith.remsi %rem3A_160, %rem3A_161 : i32
    %dma_start3A_163 = arith.constant 1 : i32
    %dma_start3A_164 = arith.constant 1 : i32
    %dma_start3A_165 = arith.constant 0 : i32
    %dma_start3A_166 = arith.constant 0 : i32
    %dma_start3A_167 = tpu.memref_slice %arg10[%dma_start3A_163, %dma_start3A_165, %dma_start3A_166] : memref<4x16x768xf32, #tpu.memory_space<vmem>> -> memref<1x16x768xf32, #tpu.memory_space<vmem>>
    %dma_start3A_168 = tpu.memref_squeeze %dma_start3A_167 : memref<1x16x768xf32, #tpu.memory_space<vmem>> -> memref<16x768xf32, #tpu.memory_space<vmem>>
    %dma_start3A_169 = arith.constant 0 : i32
    %dma_start3A_170 = arith.constant 0 : i32
    %dma_start3A_171 = tpu.memref_slice %arg8[%arg1, %rem3A_162, %dma_start3A_169, %dma_start3A_170] : memref<16x2x16x768xf32, #tpu.memory_space<vmem_shared>> -> memref<1x1x16x768xf32, #tpu.memory_space<vmem_shared>>
    %dma_start3A_172 = tpu.memref_squeeze %dma_start3A_171 : memref<1x1x16x768xf32, #tpu.memory_space<vmem_shared>> -> memref<16x768xf32, #tpu.memory_space<vmem_shared>>
    %dma_start3A_173 = tpu.memref_slice %arg15[%dma_start3A_164] : memref<4x!tpu.dma_semaphore, #tpu.memory_space<semaphore_mem>> -> memref<1x!tpu.dma_semaphore, #tpu.memory_space<semaphore_mem>>
    %dma_start3A_174 = tpu.memref_squeeze %dma_start3A_173 : memref<1x!tpu.dma_semaphore, #tpu.memory_space<semaphore_mem>> -> memref<!tpu.dma_semaphore, #tpu.memory_space<semaphore_mem>>
    %dma_start3A_175 = arith.constant 0 : i32
    %dma_start3A_176 = arith.constant 0 : i32
    %dma_start3A_177 = tpu.memref_slice %arg10[%dma_start3A_163, %dma_start3A_175, %dma_start3A_176] : memref<4x16x768xf32, #tpu.memory_space<vmem>> -> memref<1x16x768xf32, #tpu.memory_space<vmem>>
    %dma_start3A_178 = tpu.memref_squeeze %dma_start3A_177 : memref<1x16x768xf32, #tpu.memory_space<vmem>> -> memref<16x768xf32, #tpu.memory_space<vmem>>
    %dma_start3A_179 = arith.constant 0 : i32
    %dma_start3A_180 = arith.constant 0 : i32
    %dma_start3A_181 = tpu.memref_slice %arg8[%arg1, %rem3A_162, %dma_start3A_179, %dma_start3A_180] : memref<16x2x16x768xf32, #tpu.memory_space<vmem_shared>> -> memref<1x1x16x768xf32, #tpu.memory_space<vmem_shared>>
    %dma_start3A_182 = tpu.memref_squeeze %dma_start3A_181 : memref<1x1x16x768xf32, #tpu.memory_space<vmem_shared>> -> memref<16x768xf32, #tpu.memory_space<vmem_shared>>
    tpu.enqueue_dma source(%dma_start3A_182 : memref<16x768xf32, #tpu.memory_space<vmem_shared>>) target(%dma_start3A_178 : memref<16x768xf32, #tpu.memory_space<vmem>>) target_semaphore(%dma_start3A_174 : memref<!tpu.dma_semaphore, #tpu.memory_space<semaphore_mem>>)
    %scan3A = arith.constant 0 : i32
    %scan3A_183 = arith.constant 0 : i32
    %scan3A_184 = arith.constant 16 : i32
    %scan3A_185 = arith.addi %scan3A_183, %scan3A_184 : i32
    %scan3A_186 = arith.constant 1 : i32
    scf.for %scan3A_332 = %scan3A_183 to %scan3A_185 step %scan3A_186  : i32 {
      %div3A = arith.constant 4 : i32
      %div3A_333 = arith.divsi %scan3A_332, %div3A : i32
      %rem3A_334 = arith.constant 4 : i32
      %rem3A_335 = arith.remsi %scan3A_332, %rem3A_334 : i32
      %rem3A_336 = arith.constant 4 : i32
      %rem3A_337 = arith.remsi %scan3A_332, %rem3A_336 : i32
      %add3A_338 = arith.constant 2 : i32
      %add3A_339 = arith.addi %scan3A_332, %add3A_338 : i32
      %lt3A = arith.constant 16 : i32
      %lt3A_340 = arith.cmpi slt, %add3A_339, %lt3A : i32
      %convert_element_type3A = arith.extui %lt3A_340 : i1 to i32
      %cond3A = arith.constant 0 : i32
      %cond3A_341 = arith.cmpi ne, %convert_element_type3A, %cond3A : i32
      scf.if %cond3A_341 {
        %add3A_429 = arith.constant 2 : i32
        %add3A_430 = arith.addi %scan3A_332, %add3A_429 : i32
        %rem3A_431 = arith.constant 4 : i32
        %rem3A_432 = arith.remsi %add3A_430, %rem3A_431 : i32
        %ge3A = arith.constant 2 : i32
        %ge3A_433 = arith.cmpi sge, %scan3A_332, %ge3A : i32
        %convert_element_type3A_434 = arith.extui %ge3A_433 : i1 to i32
        %cond3A_435 = arith.constant 0 : i32
        %cond3A_436 = arith.cmpi ne, %convert_element_type3A_434, %cond3A_435 : i32
        scf.if %cond3A_436 {
          %dma_wait3A_484 = arith.constant 0 : i32
          %dma_wait3A_485 = arith.constant 0 : i32
          %dma_wait3A_486 = tpu.memref_slice %arg9[%rem3A_432, %dma_wait3A_484, %dma_wait3A_485] : memref<4x16x768xf32, #tpu.memory_space<vmem>> -> memref<1x16x768xf32, #tpu.memory_space<vmem>>
          %dma_wait3A_487 = tpu.memref_squeeze %dma_wait3A_486 : memref<1x16x768xf32, #tpu.memory_space<vmem>> -> memref<16x768xf32, #tpu.memory_space<vmem>>
          %dma_wait3A_488 = arith.constant 0 : i32
          %dma_wait3A_489 = arith.constant 0 : i32
          %dma_wait3A_490 = tpu.memref_slice %arg6[%dma_wait3A_488, %dma_wait3A_489] : memref<8192x768xf32, #tpu.memory_space<hbm>> -> memref<16x768xf32, #tpu.memory_space<hbm>>
          %dma_wait3A_491 = tpu.memref_slice %arg14[%rem3A_432] : memref<4x!tpu.dma_semaphore, #tpu.memory_space<semaphore_mem>> -> memref<1x!tpu.dma_semaphore, #tpu.memory_space<semaphore_mem>>
          %dma_wait3A_492 = tpu.memref_squeeze %dma_wait3A_491 : memref<1x!tpu.dma_semaphore, #tpu.memory_space<semaphore_mem>> -> memref<!tpu.dma_semaphore, #tpu.memory_space<semaphore_mem>>
          %dma_wait3A_493 = arith.constant 0 : i32
          %dma_wait3A_494 = arith.constant 0 : i32
          %dma_wait3A_495 = tpu.memref_slice %arg6[%dma_wait3A_493, %dma_wait3A_494] : memref<8192x768xf32, #tpu.memory_space<hbm>> -> memref<16x768xf32, #tpu.memory_space<hbm>>
          %dma_wait3A_496 = arith.constant 0 : i32
          %dma_wait3A_497 = arith.constant 0 : i32
          %dma_wait3A_498 = tpu.memref_slice %arg9[%rem3A_432, %dma_wait3A_496, %dma_wait3A_497] : memref<4x16x768xf32, #tpu.memory_space<vmem>> -> memref<1x16x768xf32, #tpu.memory_space<vmem>>
          %dma_wait3A_499 = tpu.memref_squeeze %dma_wait3A_498 : memref<1x16x768xf32, #tpu.memory_space<vmem>> -> memref<16x768xf32, #tpu.memory_space<vmem>>
          tpu.wait_dma2 semaphore(%dma_wait3A_492 : memref<!tpu.dma_semaphore, #tpu.memory_space<semaphore_mem>>) src(%dma_wait3A_499 : memref<16x768xf32, #tpu.memory_space<vmem>>) dst(%dma_wait3A_495 : memref<16x768xf32, #tpu.memory_space<hbm>>)
          %dma_wait3A_500 = arith.constant 0 : i32
          %dma_wait3A_501 = arith.constant 0 : i32
          %dma_wait3A_502 = tpu.memref_slice %arg10[%rem3A_432, %dma_wait3A_500, %dma_wait3A_501] : memref<4x16x768xf32, #tpu.memory_space<vmem>> -> memref<1x16x768xf32, #tpu.memory_space<vmem>>
          %dma_wait3A_503 = tpu.memref_squeeze %dma_wait3A_502 : memref<1x16x768xf32, #tpu.memory_space<vmem>> -> memref<16x768xf32, #tpu.memory_space<vmem>>
          %dma_wait3A_504 = arith.constant 0 : i32
          %dma_wait3A_505 = arith.constant 0 : i32
          %dma_wait3A_506 = tpu.memref_slice %arg5[%dma_wait3A_504, %dma_wait3A_505] : memref<8192x768xf32, #tpu.memory_space<hbm>> -> memref<16x768xf32, #tpu.memory_space<hbm>>
          %dma_wait3A_507 = tpu.memref_slice %arg16[%rem3A_432] : memref<4x!tpu.dma_semaphore, #tpu.memory_space<semaphore_mem>> -> memref<1x!tpu.dma_semaphore, #tpu.memory_space<semaphore_mem>>
          %dma_wait3A_508 = tpu.memref_squeeze %dma_wait3A_507 : memref<1x!tpu.dma_semaphore, #tpu.memory_space<semaphore_mem>> -> memref<!tpu.dma_semaphore, #tpu.memory_space<semaphore_mem>>
          %dma_wait3A_509 = arith.constant 0 : i32
          %dma_wait3A_510 = arith.constant 0 : i32
          %dma_wait3A_511 = tpu.memref_slice %arg5[%dma_wait3A_509, %dma_wait3A_510] : memref<8192x768xf32, #tpu.memory_space<hbm>> -> memref<16x768xf32, #tpu.memory_space<hbm>>
          %dma_wait3A_512 = arith.constant 0 : i32
          %dma_wait3A_513 = arith.constant 0 : i32
          %dma_wait3A_514 = tpu.memref_slice %arg10[%rem3A_432, %dma_wait3A_512, %dma_wait3A_513] : memref<4x16x768xf32, #tpu.memory_space<vmem>> -> memref<1x16x768xf32, #tpu.memory_space<vmem>>
          %dma_wait3A_515 = tpu.memref_squeeze %dma_wait3A_514 : memref<1x16x768xf32, #tpu.memory_space<vmem>> -> memref<16x768xf32, #tpu.memory_space<vmem>>
          tpu.wait_dma2 semaphore(%dma_wait3A_508 : memref<!tpu.dma_semaphore, #tpu.memory_space<semaphore_mem>>) src(%dma_wait3A_515 : memref<16x768xf32, #tpu.memory_space<vmem>>) dst(%dma_wait3A_511 : memref<16x768xf32, #tpu.memory_space<hbm>>)
        } else {
        }
        %div3A_437 = arith.constant 4 : i32
        %div3A_438 = arith.divsi %add3A_430, %div3A_437 : i32
        %rem3A_439 = arith.constant 4 : i32
        %rem3A_440 = arith.remsi %add3A_430, %rem3A_439 : i32
        %lt3A_441 = arith.constant 2 : i32
        %lt3A_442 = arith.cmpi slt, %scan3A_332, %lt3A_441 : i32
        %convert_element_type3A_443 = arith.extui %lt3A_442 : i1 to i32
        %cond3A_444 = arith.constant 0 : i32
        %cond3A_445 = arith.cmpi ne, %convert_element_type3A_443, %cond3A_444 : i32
        scf.if %cond3A_445 {
          %dma_wait3A_484 = arith.constant 0 : i32
          %dma_wait3A_485 = tpu.memref_slice %arg7[%rem3A_440, %dma_wait3A_484] : memref<4x64xi32, #tpu.memory_space<vmem>> -> memref<1x64xi32, #tpu.memory_space<vmem>>
          %dma_wait3A_486 = tpu.memref_squeeze %dma_wait3A_485 : memref<1x64xi32, #tpu.memory_space<vmem>> -> memref<64xi32, #tpu.memory_space<vmem>>
          %dma_wait3A_487 = tpu.memref_slice %arg2[%rem3A_440, %mul3A_2] : memref<4x2048xi32, #tpu.memory_space<hbm>> -> memref<1x64xi32, #tpu.memory_space<hbm>>
          %dma_wait3A_488 = tpu.memref_squeeze %dma_wait3A_487 : memref<1x64xi32, #tpu.memory_space<hbm>> -> memref<64xi32, #tpu.memory_space<hbm>>
          %dma_wait3A_489 = tpu.memref_slice %arg11[%rem3A_440] : memref<4x!tpu.dma_semaphore, #tpu.memory_space<semaphore_mem>> -> memref<1x!tpu.dma_semaphore, #tpu.memory_space<semaphore_mem>>
          %dma_wait3A_490 = tpu.memref_squeeze %dma_wait3A_489 : memref<1x!tpu.dma_semaphore, #tpu.memory_space<semaphore_mem>> -> memref<!tpu.dma_semaphore, #tpu.memory_space<semaphore_mem>>
          %dma_wait3A_491 = arith.constant 0 : i32
          %dma_wait3A_492 = tpu.memref_slice %arg7[%rem3A_440, %dma_wait3A_491] : memref<4x64xi32, #tpu.memory_space<vmem>> -> memref<1x64xi32, #tpu.memory_space<vmem>>
          %dma_wait3A_493 = tpu.memref_squeeze %dma_wait3A_492 : memref<1x64xi32, #tpu.memory_space<vmem>> -> memref<64xi32, #tpu.memory_space<vmem>>
          %dma_wait3A_494 = tpu.memref_slice %arg2[%rem3A_440, %mul3A_2] : memref<4x2048xi32, #tpu.memory_space<hbm>> -> memref<1x64xi32, #tpu.memory_space<hbm>>
          %dma_wait3A_495 = tpu.memref_squeeze %dma_wait3A_494 : memref<1x64xi32, #tpu.memory_space<hbm>> -> memref<64xi32, #tpu.memory_space<hbm>>
          tpu.wait_dma2 semaphore(%dma_wait3A_490 : memref<!tpu.dma_semaphore, #tpu.memory_space<semaphore_mem>>) src(%dma_wait3A_495 : memref<64xi32, #tpu.memory_space<hbm>>) dst(%dma_wait3A_493 : memref<64xi32, #tpu.memory_space<vmem>>)
        } else {
        }
        %eq3A_446 = arith.constant 0 : i32
        %eq3A_447 = arith.cmpi eq, %rem3A_440, %eq3A_446 : i32
        %convert_element_type3A_448 = arith.extui %eq3A_447 : i1 to i32
        %cond3A_449 = arith.constant 0 : i32
        %cond3A_450 = arith.cmpi ne, %convert_element_type3A_448, %cond3A_449 : i32
        scf.if %cond3A_450 {
          %rem3A_484 = arith.constant 2 : i32
          %rem3A_485 = arith.remsi %div3A_438, %rem3A_484 : i32
          %dma_wait3A_486 = arith.constant 0 : i32
          %dma_wait3A_487 = arith.constant 0 : i32
          %dma_wait3A_488 = tpu.memref_slice %arg8[%arg1, %rem3A_485, %dma_wait3A_486, %dma_wait3A_487] : memref<16x2x16x768xf32, #tpu.memory_space<vmem_shared>> -> memref<1x1x16x768xf32, #tpu.memory_space<vmem_shared>>
          %dma_wait3A_489 = tpu.memref_squeeze %dma_wait3A_488 : memref<1x1x16x768xf32, #tpu.memory_space<vmem_shared>> -> memref<16x768xf32, #tpu.memory_space<vmem_shared>>
          %dma_wait3A_490 = arith.constant 0 : i32
          %dma_wait3A_491 = tpu.memref_slice %arg4[%mul3A_2, %dma_wait3A_490] : memref<2048x768xf32, #tpu.memory_space<hbm>> -> memref<16x768xf32, #tpu.memory_space<hbm>>
          tpu.wait_dma2 semaphore(%arg12 : memref<!tpu.dma_semaphore, #tpu.memory_space<semaphore_mem>>) src(%dma_wait3A_491 : memref<16x768xf32, #tpu.memory_space<hbm>>) dst(%dma_wait3A_489 : memref<16x768xf32, #tpu.memory_space<vmem_shared>>)
        } else {
        }
        %mul3A_451 = arith.constant 16 : i32
        %mul3A_452 = arith.muli %div3A_438, %mul3A_451 : i32
        %dma_start3A_453 = arith.constant 0 : i32
        %dma_start3A_454 = arith.constant 0 : i32
        %dma_start3A_455 = tpu.memref_slice %arg9[%rem3A_432, %dma_start3A_453, %dma_start3A_454] : memref<4x16x768xf32, #tpu.memory_space<vmem>> -> memref<1x16x768xf32, #tpu.memory_space<vmem>>
        %dma_start3A_456 = tpu.memref_squeeze %dma_start3A_455 : memref<1x16x768xf32, #tpu.memory_space<vmem>> -> memref<16x768xf32, #tpu.memory_space<vmem>>
        %dma_start3A_457 = tpu.memref_slice %arg7[%rem3A_440, %mul3A_452] : memref<4x64xi32, #tpu.memory_space<vmem>> -> memref<1x16xi32, #tpu.memory_space<vmem>>
        %dma_start3A_458 = tpu.memref_squeeze %dma_start3A_457 : memref<1x16xi32, #tpu.memory_space<vmem>> -> memref<16xi32, #tpu.memory_space<vmem>>
        %dma_start3A_459 = arith.constant 0 : i32
        %dma_start3A_460 = arith.constant 0 : i32
        %dma_start3A_461 = tpu.memref_slice %arg3[%dma_start3A_459, %dma_start3A_460] : memref<100000x768xf32, #tpu.memory_space<hbm>> -> memref<100000x768xf32, #tpu.memory_space<hbm>>
        %dma_start3A_462 = tpu.memref_slice %arg13[%rem3A_432] : memref<4x!tpu.dma_semaphore, #tpu.memory_space<semaphore_mem>> -> memref<1x!tpu.dma_semaphore, #tpu.memory_space<semaphore_mem>>
        %dma_start3A_463 = tpu.memref_squeeze %dma_start3A_462 : memref<1x!tpu.dma_semaphore, #tpu.memory_space<semaphore_mem>> -> memref<!tpu.dma_semaphore, #tpu.memory_space<semaphore_mem>>
        tpu.enqueue_indirect_dma source(%dma_start3A_461 : memref<100000x768xf32, #tpu.memory_space<hbm>>) target(%dma_start3A_456 : memref<16x768xf32, #tpu.memory_space<vmem>>) offsets(%dma_start3A_458 : memref<16xi32, #tpu.memory_space<vmem>>) semaphore(%dma_start3A_463 : memref<!tpu.dma_semaphore, #tpu.memory_space<semaphore_mem>>)
        %rem3A_464 = arith.constant 2 : i32
        %rem3A_465 = arith.remsi %div3A_438, %rem3A_464 : i32
        %dma_start3A_466 = arith.constant 0 : i32
        %dma_start3A_467 = arith.constant 0 : i32
        %dma_start3A_468 = tpu.memref_slice %arg10[%rem3A_432, %dma_start3A_466, %dma_start3A_467] : memref<4x16x768xf32, #tpu.memory_space<vmem>> -> memref<1x16x768xf32, #tpu.memory_space<vmem>>
        %dma_start3A_469 = tpu.memref_squeeze %dma_start3A_468 : memref<1x16x768xf32, #tpu.memory_space<vmem>> -> memref<16x768xf32, #tpu.memory_space<vmem>>
        %dma_start3A_470 = arith.constant 0 : i32
        %dma_start3A_471 = arith.constant 0 : i32
        %dma_start3A_472 = tpu.memref_slice %arg8[%arg1, %rem3A_465, %dma_start3A_470, %dma_start3A_471] : memref<16x2x16x768xf32, #tpu.memory_space<vmem_shared>> -> memref<1x1x16x768xf32, #tpu.memory_space<vmem_shared>>
        %dma_start3A_473 = tpu.memref_squeeze %dma_start3A_472 : memref<1x1x16x768xf32, #tpu.memory_space<vmem_shared>> -> memref<16x768xf32, #tpu.memory_space<vmem_shared>>
        %dma_start3A_474 = tpu.memref_slice %arg15[%rem3A_432] : memref<4x!tpu.dma_semaphore, #tpu.memory_space<semaphore_mem>> -> memref<1x!tpu.dma_semaphore, #tpu.memory_space<semaphore_mem>>
        %dma_start3A_475 = tpu.memref_squeeze %dma_start3A_474 : memref<1x!tpu.dma_semaphore, #tpu.memory_space<semaphore_mem>> -> memref<!tpu.dma_semaphore, #tpu.memory_space<semaphore_mem>>
        %dma_start3A_476 = arith.constant 0 : i32
        %dma_start3A_477 = arith.constant 0 : i32
        %dma_start3A_478 = tpu.memref_slice %arg10[%rem3A_432, %dma_start3A_476, %dma_start3A_477] : memref<4x16x768xf32, #tpu.memory_space<vmem>> -> memref<1x16x768xf32, #tpu.memory_space<vmem>>
        %dma_start3A_479 = tpu.memref_squeeze %dma_start3A_478 : memref<1x16x768xf32, #tpu.memory_space<vmem>> -> memref<16x768xf32, #tpu.memory_space<vmem>>
        %dma_start3A_480 = arith.constant 0 : i32
        %dma_start3A_481 = arith.constant 0 : i32
        %dma_start3A_482 = tpu.memref_slice %arg8[%arg1, %rem3A_465, %dma_start3A_480, %dma_start3A_481] : memref<16x2x16x768xf32, #tpu.memory_space<vmem_shared>> -> memref<1x1x16x768xf32, #tpu.memory_space<vmem_shared>>
        %dma_start3A_483 = tpu.memref_squeeze %dma_start3A_482 : memref<1x1x16x768xf32, #tpu.memory_space<vmem_shared>> -> memref<16x768xf32, #tpu.memory_space<vmem_shared>>
        tpu.enqueue_dma source(%dma_start3A_483 : memref<16x768xf32, #tpu.memory_space<vmem_shared>>) target(%dma_start3A_479 : memref<16x768xf32, #tpu.memory_space<vmem>>) target_semaphore(%dma_start3A_475 : memref<!tpu.dma_semaphore, #tpu.memory_space<semaphore_mem>>)
      } else {
      }
      %eq3A = arith.constant 0 : i32
      %eq3A_342 = arith.cmpi eq, %rem3A_335, %eq3A : i32
      %add3A_343 = arith.constant 1 : i32
      %add3A_344 = arith.addi %div3A_333, %add3A_343 : i32
      %lt3A_345 = arith.constant 4 : i32
      %lt3A_346 = arith.cmpi slt, %add3A_344, %lt3A_345 : i32
      %and3A = arith.andi %eq3A_342, %lt3A_346 : i1
      %convert_element_type3A_347 = arith.extui %and3A : i1 to i32
      %cond3A_348 = arith.constant 0 : i32
      %cond3A_349 = arith.cmpi ne, %convert_element_type3A_347, %cond3A_348 : i32
      scf.if %cond3A_349 {
        %add3A_429 = arith.constant 1 : i32
        %add3A_430 = arith.addi %div3A_333, %add3A_429 : i32
        %mul3A_431 = arith.constant 16 : i32
        %mul3A_432 = arith.muli %add3A_430, %mul3A_431 : i32
        %add3A_433 = arith.addi %mul3A_2, %mul3A_432 : i32
        %rem3A_434 = arith.constant 2 : i32
        %rem3A_435 = arith.remsi %add3A_430, %rem3A_434 : i32
        %dma_start3A_436 = arith.constant 0 : i32
        %dma_start3A_437 = arith.constant 0 : i32
        %dma_start3A_438 = tpu.memref_slice %arg8[%arg1, %rem3A_435, %dma_start3A_436, %dma_start3A_437] : memref<16x2x16x768xf32, #tpu.memory_space<vmem_shared>> -> memref<1x1x16x768xf32, #tpu.memory_space<vmem_shared>>
        %dma_start3A_439 = tpu.memref_squeeze %dma_start3A_438 : memref<1x1x16x768xf32, #tpu.memory_space<vmem_shared>> -> memref<16x768xf32, #tpu.memory_space<vmem_shared>>
        %dma_start3A_440 = arith.constant 0 : i32
        %dma_start3A_441 = tpu.memref_slice %arg4[%add3A_433, %dma_start3A_440] : memref<2048x768xf32, #tpu.memory_space<hbm>> -> memref<16x768xf32, #tpu.memory_space<hbm>>
        tpu.enqueue_dma source(%dma_start3A_441 : memref<16x768xf32, #tpu.memory_space<hbm>>) target(%dma_start3A_439 : memref<16x768xf32, #tpu.memory_space<vmem_shared>>) target_semaphore(%arg12 : memref<!tpu.dma_semaphore, #tpu.memory_space<semaphore_mem>>)
      } else {
      }
      %mul3A_350 = arith.constant 16 : i32
      %mul3A_351 = arith.muli %div3A_333, %mul3A_350 : i32
      %dma_wait3A_352 = arith.constant 0 : i32
      %dma_wait3A_353 = arith.constant 0 : i32
      %dma_wait3A_354 = tpu.memref_slice %arg9[%rem3A_337, %dma_wait3A_352, %dma_wait3A_353] : memref<4x16x768xf32, #tpu.memory_space<vmem>> -> memref<1x16x768xf32, #tpu.memory_space<vmem>>
      %dma_wait3A_355 = tpu.memref_squeeze %dma_wait3A_354 : memref<1x16x768xf32, #tpu.memory_space<vmem>> -> memref<16x768xf32, #tpu.memory_space<vmem>>
      %dma_wait3A_356 = tpu.memref_slice %arg7[%rem3A_335, %mul3A_351] : memref<4x64xi32, #tpu.memory_space<vmem>> -> memref<1x16xi32, #tpu.memory_space<vmem>>
      %dma_wait3A_357 = tpu.memref_squeeze %dma_wait3A_356 : memref<1x16xi32, #tpu.memory_space<vmem>> -> memref<16xi32, #tpu.memory_space<vmem>>
      %dma_wait3A_358 = arith.constant 0 : i32
      %dma_wait3A_359 = arith.constant 0 : i32
      %dma_wait3A_360 = tpu.memref_slice %arg3[%dma_wait3A_358, %dma_wait3A_359] : memref<100000x768xf32, #tpu.memory_space<hbm>> -> memref<100000x768xf32, #tpu.memory_space<hbm>>
      %dma_wait3A_361 = tpu.memref_slice %arg13[%rem3A_337] : memref<4x!tpu.dma_semaphore, #tpu.memory_space<semaphore_mem>> -> memref<1x!tpu.dma_semaphore, #tpu.memory_space<semaphore_mem>>
      %dma_wait3A_362 = tpu.memref_squeeze %dma_wait3A_361 : memref<1x!tpu.dma_semaphore, #tpu.memory_space<semaphore_mem>> -> memref<!tpu.dma_semaphore, #tpu.memory_space<semaphore_mem>>
      tpu.wait_indirect_dma semaphore(%dma_wait3A_362 : memref<!tpu.dma_semaphore, #tpu.memory_space<semaphore_mem>>) src(%dma_wait3A_360 : memref<100000x768xf32, #tpu.memory_space<hbm>>) dst(%dma_wait3A_355 : memref<16x768xf32, #tpu.memory_space<vmem>>)
      %mul3A_363 = arith.constant 2048 : i32
      %mul3A_364 = arith.muli %rem3A_335, %mul3A_363 : i32
      %add3A_365 = arith.addi %mul3A_364, %mul3A_2 : i32
      %mul3A_366 = arith.constant 16 : i32
      %mul3A_367 = arith.muli %div3A_333, %mul3A_366 : i32
      %add3A_368 = arith.addi %add3A_365, %mul3A_367 : i32
      %dma_start3A_369 = arith.constant 0 : i32
      %dma_start3A_370 = arith.constant 0 : i32
      %dma_start3A_371 = tpu.memref_slice %arg9[%rem3A_337, %dma_start3A_369, %dma_start3A_370] : memref<4x16x768xf32, #tpu.memory_space<vmem>> -> memref<1x16x768xf32, #tpu.memory_space<vmem>>
      %dma_start3A_372 = tpu.memref_squeeze %dma_start3A_371 : memref<1x16x768xf32, #tpu.memory_space<vmem>> -> memref<16x768xf32, #tpu.memory_space<vmem>>
      %dma_start3A_373 = arith.constant 0 : i32
      %dma_start3A_374 = tpu.memref_slice %arg6[%add3A_368, %dma_start3A_373] : memref<8192x768xf32, #tpu.memory_space<hbm>> -> memref<16x768xf32, #tpu.memory_space<hbm>>
      %dma_start3A_375 = tpu.memref_slice %arg14[%rem3A_337] : memref<4x!tpu.dma_semaphore, #tpu.memory_space<semaphore_mem>> -> memref<1x!tpu.dma_semaphore, #tpu.memory_space<semaphore_mem>>
      %dma_start3A_376 = tpu.memref_squeeze %dma_start3A_375 : memref<1x!tpu.dma_semaphore, #tpu.memory_space<semaphore_mem>> -> memref<!tpu.dma_semaphore, #tpu.memory_space<semaphore_mem>>
      %dma_start3A_377 = arith.constant 0 : i32
      %dma_start3A_378 = tpu.memref_slice %arg6[%add3A_368, %dma_start3A_377] : memref<8192x768xf32, #tpu.memory_space<hbm>> -> memref<16x768xf32, #tpu.memory_space<hbm>>
      %dma_start3A_379 = arith.constant 0 : i32
      %dma_start3A_380 = arith.constant 0 : i32
      %dma_start3A_381 = tpu.memref_slice %arg9[%rem3A_337, %dma_start3A_379, %dma_start3A_380] : memref<4x16x768xf32, #tpu.memory_space<vmem>> -> memref<1x16x768xf32, #tpu.memory_space<vmem>>
      %dma_start3A_382 = tpu.memref_squeeze %dma_start3A_381 : memref<1x16x768xf32, #tpu.memory_space<vmem>> -> memref<16x768xf32, #tpu.memory_space<vmem>>
      tpu.enqueue_dma source(%dma_start3A_382 : memref<16x768xf32, #tpu.memory_space<vmem>>) target(%dma_start3A_378 : memref<16x768xf32, #tpu.memory_space<hbm>>) target_semaphore(%dma_start3A_376 : memref<!tpu.dma_semaphore, #tpu.memory_space<semaphore_mem>>)
      %rem3A_383 = arith.constant 2 : i32
      %rem3A_384 = arith.remsi %div3A_333, %rem3A_383 : i32
      %dma_wait3A_385 = arith.constant 0 : i32
      %dma_wait3A_386 = arith.constant 0 : i32
      %dma_wait3A_387 = tpu.memref_slice %arg10[%rem3A_337, %dma_wait3A_385, %dma_wait3A_386] : memref<4x16x768xf32, #tpu.memory_space<vmem>> -> memref<1x16x768xf32, #tpu.memory_space<vmem>>
      %dma_wait3A_388 = tpu.memref_squeeze %dma_wait3A_387 : memref<1x16x768xf32, #tpu.memory_space<vmem>> -> memref<16x768xf32, #tpu.memory_space<vmem>>
      %dma_wait3A_389 = arith.constant 0 : i32
      %dma_wait3A_390 = arith.constant 0 : i32
      %dma_wait3A_391 = tpu.memref_slice %arg8[%arg1, %rem3A_384, %dma_wait3A_389, %dma_wait3A_390] : memref<16x2x16x768xf32, #tpu.memory_space<vmem_shared>> -> memref<1x1x16x768xf32, #tpu.memory_space<vmem_shared>>
      %dma_wait3A_392 = tpu.memref_squeeze %dma_wait3A_391 : memref<1x1x16x768xf32, #tpu.memory_space<vmem_shared>> -> memref<16x768xf32, #tpu.memory_space<vmem_shared>>
      %dma_wait3A_393 = tpu.memref_slice %arg15[%rem3A_337] : memref<4x!tpu.dma_semaphore, #tpu.memory_space<semaphore_mem>> -> memref<1x!tpu.dma_semaphore, #tpu.memory_space<semaphore_mem>>
      %dma_wait3A_394 = tpu.memref_squeeze %dma_wait3A_393 : memref<1x!tpu.dma_semaphore, #tpu.memory_space<semaphore_mem>> -> memref<!tpu.dma_semaphore, #tpu.memory_space<semaphore_mem>>
      %dma_wait3A_395 = arith.constant 0 : i32
      %dma_wait3A_396 = arith.constant 0 : i32
      %dma_wait3A_397 = tpu.memref_slice %arg10[%rem3A_337, %dma_wait3A_395, %dma_wait3A_396] : memref<4x16x768xf32, #tpu.memory_space<vmem>> -> memref<1x16x768xf32, #tpu.memory_space<vmem>>
      %dma_wait3A_398 = tpu.memref_squeeze %dma_wait3A_397 : memref<1x16x768xf32, #tpu.memory_space<vmem>> -> memref<16x768xf32, #tpu.memory_space<vmem>>
      %dma_wait3A_399 = arith.constant 0 : i32
      %dma_wait3A_400 = arith.constant 0 : i32
      %dma_wait3A_401 = tpu.memref_slice %arg8[%arg1, %rem3A_384, %dma_wait3A_399, %dma_wait3A_400] : memref<16x2x16x768xf32, #tpu.memory_space<vmem_shared>> -> memref<1x1x16x768xf32, #tpu.memory_space<vmem_shared>>
      %dma_wait3A_402 = tpu.memref_squeeze %dma_wait3A_401 : memref<1x1x16x768xf32, #tpu.memory_space<vmem_shared>> -> memref<16x768xf32, #tpu.memory_space<vmem_shared>>
      tpu.wait_dma2 semaphore(%dma_wait3A_394 : memref<!tpu.dma_semaphore, #tpu.memory_space<semaphore_mem>>) src(%dma_wait3A_402 : memref<16x768xf32, #tpu.memory_space<vmem_shared>>) dst(%dma_wait3A_398 : memref<16x768xf32, #tpu.memory_space<vmem>>)
      %scan3A_403 = arith.constant 0 : i32
      %scan3A_404 = arith.constant 0 : i32
      %scan3A_405 = arith.constant 16 : i32
      %scan3A_406 = arith.addi %scan3A_404, %scan3A_405 : i32
      %scan3A_407 = arith.constant 1 : i32
      scf.for %scan3A_429 = %scan3A_404 to %scan3A_406 step %scan3A_407  : i32 {
        %get3A = arith.index_cast %rem3A_337 : i32 to index
        %get3A_430 = arith.index_cast %scan3A_429 : i32 to index
        %get3A_431 = arith.constant 0 : index
        %get3A_432 = tpu.vector_load %arg9[%get3A, %get3A_430, %get3A_431] {strides = array<i32>} : memref<4x16x768xf32, #tpu.memory_space<vmem>>, vector<1x1x16xf32>,
        %get3A_433 = vector.shape_cast %get3A_432 : vector<1x1x16xf32> to vector<16xf32>
        %swap3A = arith.index_cast %rem3A_337 : i32 to index
        %swap3A_434 = arith.index_cast %scan3A_429 : i32 to index
        %swap3A_435 = arith.constant 0 : index
        %swap3A_436 = tpu.vector_load %arg10[%swap3A, %swap3A_434, %swap3A_435] {strides = array<i32>} : memref<4x16x768xf32, #tpu.memory_space<vmem>>, vector<1x1x16xf32>,
        %swap3A_437 = vector.shape_cast %swap3A_436 : vector<1x1x16xf32> to vector<16xf32>
        %swap3A_438 = vector.shape_cast %get3A_433 : vector<16xf32> to vector<1x1x16xf32>
        tpu.vector_store %arg10[%swap3A, %swap3A_434, %swap3A_435], %swap3A_438 {add = true, strides = array<i32>} : memref<4x16x768xf32, #tpu.memory_space<vmem>>, vector<1x1x16xf32>,
        %get3A_439 = arith.index_cast %rem3A_337 : i32 to index
        %get3A_440 = arith.index_cast %scan3A_429 : i32 to index
        %get3A_441 = arith.constant 16 : index
        %get3A_442 = tpu.vector_load %arg9[%get3A_439, %get3A_440, %get3A_441] {strides = array<i32>} : memref<4x16x768xf32, #tpu.memory_space<vmem>>, vector<1x1x16xf32>,
        %get3A_443 = vector.shape_cast %get3A_442 : vector<1x1x16xf32> to vector<16xf32>
        %swap3A_444 = arith.index_cast %rem3A_337 : i32 to index
        %swap3A_445 = arith.index_cast %scan3A_429 : i32 to index
        %swap3A_446 = arith.constant 16 : index
        %swap3A_447 = tpu.vector_load %arg10[%swap3A_444, %swap3A_445, %swap3A_446] {strides = array<i32>} : memref<4x16x768xf32, #tpu.memory_space<vmem>>, vector<1x1x16xf32>,
        %swap3A_448 = vector.shape_cast %swap3A_447 : vector<1x1x16xf32> to vector<16xf32>
        %swap3A_449 = vector.shape_cast %get3A_443 : vector<16xf32> to vector<1x1x16xf32>
        tpu.vector_store %arg10[%swap3A_444, %swap3A_445, %swap3A_446], %swap3A_449 {add = true, strides = array<i32>} : memref<4x16x768xf32, #tpu.memory_space<vmem>>, vector<1x1x16xf32>,
        %get3A_450 = arith.index_cast %rem3A_337 : i32 to index
        %get3A_451 = arith.index_cast %scan3A_429 : i32 to index
        %get3A_452 = arith.constant 32 : index
        %get3A_453 = tpu.vector_load %arg9[%get3A_450, %get3A_451, %get3A_452] {strides = array<i32>} : memref<4x16x768xf32, #tpu.memory_space<vmem>>, vector<1x1x16xf32>,
        %get3A_454 = vector.shape_cast %get3A_453 : vector<1x1x16xf32> to vector<16xf32>
        %swap3A_455 = arith.index_cast %rem3A_337 : i32 to index
        %swap3A_456 = arith.index_cast %scan3A_429 : i32 to index
        %swap3A_457 = arith.constant 32 : index
        %swap3A_458 = tpu.vector_load %arg10[%swap3A_455, %swap3A_456, %swap3A_457] {strides = array<i32>} : memref<4x16x768xf32, #tpu.memory_space<vmem>>, vector<1x1x16xf32>,
        %swap3A_459 = vector.shape_cast %swap3A_458 : vector<1x1x16xf32> to vector<16xf32>
        %swap3A_460 = vector.shape_cast %get3A_454 : vector<16xf32> to vector<1x1x16xf32>
        tpu.vector_store %arg10[%swap3A_455, %swap3A_456, %swap3A_457], %swap3A_460 {add = true, strides = array<i32>} : memref<4x16x768xf32, #tpu.memory_space<vmem>>, vector<1x1x16xf32>,
        %get3A_461 = arith.index_cast %rem3A_337 : i32 to index
        %get3A_462 = arith.index_cast %scan3A_429 : i32 to index
        %get3A_463 = arith.constant 48 : index
        %get3A_464 = tpu.vector_load %arg9[%get3A_461, %get3A_462, %get3A_463] {strides = array<i32>} : memref<4x16x768xf32, #tpu.memory_space<vmem>>, vector<1x1x16xf32>,
        %get3A_465 = vector.shape_cast %get3A_464 : vector<1x1x16xf32> to vector<16xf32>
        %swap3A_466 = arith.index_cast %rem3A_337 : i32 to index
        %swap3A_467 = arith.index_cast %scan3A_429 : i32 to index
        %swap3A_468 = arith.constant 48 : index
        %swap3A_469 = tpu.vector_load %arg10[%swap3A_466, %swap3A_467, %swap3A_468] {strides = array<i32>} : memref<4x16x768xf32, #tpu.memory_space<vmem>>, vector<1x1x16xf32>,
        %swap3A_470 = vector.shape_cast %swap3A_469 : vector<1x1x16xf32> to vector<16xf32>
        %swap3A_471 = vector.shape_cast %get3A_465 : vector<16xf32> to vector<1x1x16xf32>
        tpu.vector_store %arg10[%swap3A_466, %swap3A_467, %swap3A_468], %swap3A_471 {add = true, strides = array<i32>} : memref<4x16x768xf32, #tpu.memory_space<vmem>>, vector<1x1x16xf32>,
        %get3A_472 = arith.index_cast %rem3A_337 : i32 to index
        %get3A_473 = arith.index_cast %scan3A_429 : i32 to index
        %get3A_474 = arith.constant 64 : index
        %get3A_475 = tpu.vector_load %arg9[%get3A_472, %get3A_473, %get3A_474] {strides = array<i32>} : memref<4x16x768xf32, #tpu.memory_space<vmem>>, vector<1x1x16xf32>,
        %get3A_476 = vector.shape_cast %get3A_475 : vector<1x1x16xf32> to vector<16xf32>
        %swap3A_477 = arith.index_cast %rem3A_337 : i32 to index
        %swap3A_478 = arith.index_cast %scan3A_429 : i32 to index
        %swap3A_479 = arith.constant 64 : index
        %swap3A_480 = tpu.vector_load %arg10[%swap3A_477, %swap3A_478, %swap3A_479] {strides = array<i32>} : memref<4x16x768xf32, #tpu.memory_space<vmem>>, vector<1x1x16xf32>,
        %swap3A_481 = vector.shape_cast %swap3A_480 : vector<1x1x16xf32> to vector<16xf32>
        %swap3A_482 = vector.shape_cast %get3A_476 : vector<16xf32> to vector<1x1x16xf32>
        tpu.vector_store %arg10[%swap3A_477, %swap3A_478, %swap3A_479], %swap3A_482 {add = true, strides = array<i32>} : memref<4x16x768xf32, #tpu.memory_space<vmem>>, vector<1x1x16xf32>,
        %get3A_483 = arith.index_cast %rem3A_337 : i32 to index
        %get3A_484 = arith.index_cast %scan3A_429 : i32 to index
        %get3A_485 = arith.constant 80 : index
        %get3A_486 = tpu.vector_load %arg9[%get3A_483, %get3A_484, %get3A_485] {strides = array<i32>} : memref<4x16x768xf32, #tpu.memory_space<vmem>>, vector<1x1x16xf32>,
        %get3A_487 = vector.shape_cast %get3A_486 : vector<1x1x16xf32> to vector<16xf32>
        %swap3A_488 = arith.index_cast %rem3A_337 : i32 to index
        %swap3A_489 = arith.index_cast %scan3A_429 : i32 to index
        %swap3A_490 = arith.constant 80 : index
        %swap3A_491 = tpu.vector_load %arg10[%swap3A_488, %swap3A_489, %swap3A_490] {strides = array<i32>} : memref<4x16x768xf32, #tpu.memory_space<vmem>>, vector<1x1x16xf32>,
        %swap3A_492 = vector.shape_cast %swap3A_491 : vector<1x1x16xf32> to vector<16xf32>
        %swap3A_493 = vector.shape_cast %get3A_487 : vector<16xf32> to vector<1x1x16xf32>
        tpu.vector_store %arg10[%swap3A_488, %swap3A_489, %swap3A_490], %swap3A_493 {add = true, strides = array<i32>} : memref<4x16x768xf32, #tpu.memory_space<vmem>>, vector<1x1x16xf32>,
        %get3A_494 = arith.index_cast %rem3A_337 : i32 to index
        %get3A_495 = arith.index_cast %scan3A_429 : i32 to index
        %get3A_496 = arith.constant 96 : index
        %get3A_497 = tpu.vector_load %arg9[%get3A_494, %get3A_495, %get3A_496] {strides = array<i32>} : memref<4x16x768xf32, #tpu.memory_space<vmem>>, vector<1x1x16xf32>,
        %get3A_498 = vector.shape_cast %get3A_497 : vector<1x1x16xf32> to vector<16xf32>
        %swap3A_499 = arith.index_cast %rem3A_337 : i32 to index
        %swap3A_500 = arith.index_cast %scan3A_429 : i32 to index
        %swap3A_501 = arith.constant 96 : index
        %swap3A_502 = tpu.vector_load %arg10[%swap3A_499, %swap3A_500, %swap3A_501] {strides = array<i32>} : memref<4x16x768xf32, #tpu.memory_space<vmem>>, vector<1x1x16xf32>,
        %swap3A_503 = vector.shape_cast %swap3A_502 : vector<1x1x16xf32> to vector<16xf32>
        %swap3A_504 = vector.shape_cast %get3A_498 : vector<16xf32> to vector<1x1x16xf32>
        tpu.vector_store %arg10[%swap3A_499, %swap3A_500, %swap3A_501], %swap3A_504 {add = true, strides = array<i32>} : memref<4x16x768xf32, #tpu.memory_space<vmem>>, vector<1x1x16xf32>,
        %get3A_505 = arith.index_cast %rem3A_337 : i32 to index
        %get3A_506 = arith.index_cast %scan3A_429 : i32 to index
        %get3A_507 = arith.constant 112 : index
        %get3A_508 = tpu.vector_load %arg9[%get3A_505, %get3A_506, %get3A_507] {strides = array<i32>} : memref<4x16x768xf32, #tpu.memory_space<vmem>>, vector<1x1x16xf32>,
        %get3A_509 = vector.shape_cast %get3A_508 : vector<1x1x16xf32> to vector<16xf32>
        %swap3A_510 = arith.index_cast %rem3A_337 : i32 to index
        %swap3A_511 = arith.index_cast %scan3A_429 : i32 to index
        %swap3A_512 = arith.constant 112 : index
        %swap3A_513 = tpu.vector_load %arg10[%swap3A_510, %swap3A_511, %swap3A_512] {strides = array<i32>} : memref<4x16x768xf32, #tpu.memory_space<vmem>>, vector<1x1x16xf32>,
        %swap3A_514 = vector.shape_cast %swap3A_513 : vector<1x1x16xf32> to vector<16xf32>
        %swap3A_515 = vector.shape_cast %get3A_509 : vector<16xf32> to vector<1x1x16xf32>
        tpu.vector_store %arg10[%swap3A_510, %swap3A_511, %swap3A_512], %swap3A_515 {add = true, strides = array<i32>} : memref<4x16x768xf32, #tpu.memory_space<vmem>>, vector<1x1x16xf32>,
        %get3A_516 = arith.index_cast %rem3A_337 : i32 to index
        %get3A_517 = arith.index_cast %scan3A_429 : i32 to index
        %get3A_518 = arith.constant 128 : index
        %get3A_519 = tpu.vector_load %arg9[%get3A_516, %get3A_517, %get3A_518] {strides = array<i32>} : memref<4x16x768xf32, #tpu.memory_space<vmem>>, vector<1x1x16xf32>,
        %get3A_520 = vector.shape_cast %get3A_519 : vector<1x1x16xf32> to vector<16xf32>
        %swap3A_521 = arith.index_cast %rem3A_337 : i32 to index
        %swap3A_522 = arith.index_cast %scan3A_429 : i32 to index
        %swap3A_523 = arith.constant 128 : index
        %swap3A_524 = tpu.vector_load %arg10[%swap3A_521, %swap3A_522, %swap3A_523] {strides = array<i32>} : memref<4x16x768xf32, #tpu.memory_space<vmem>>, vector<1x1x16xf32>,
        %swap3A_525 = vector.shape_cast %swap3A_524 : vector<1x1x16xf32> to vector<16xf32>
        %swap3A_526 = vector.shape_cast %get3A_520 : vector<16xf32> to vector<1x1x16xf32>
        tpu.vector_store %arg10[%swap3A_521, %swap3A_522, %swap3A_523], %swap3A_526 {add = true, strides = array<i32>} : memref<4x16x768xf32, #tpu.memory_space<vmem>>, vector<1x1x16xf32>,
        %get3A_527 = arith.index_cast %rem3A_337 : i32 to index
        %get3A_528 = arith.index_cast %scan3A_429 : i32 to index
        %get3A_529 = arith.constant 144 : index
        %get3A_530 = tpu.vector_load %arg9[%get3A_527, %get3A_528, %get3A_529] {strides = array<i32>} : memref<4x16x768xf32, #tpu.memory_space<vmem>>, vector<1x1x16xf32>,
        %get3A_531 = vector.shape_cast %get3A_530 : vector<1x1x16xf32> to vector<16xf32>
        %swap3A_532 = arith.index_cast %rem3A_337 : i32 to index
        %swap3A_533 = arith.index_cast %scan3A_429 : i32 to index
        %swap3A_534 = arith.constant 144 : index
        %swap3A_535 = tpu.vector_load %arg10[%swap3A_532, %swap3A_533, %swap3A_534] {strides = array<i32>} : memref<4x16x768xf32, #tpu.memory_space<vmem>>, vector<1x1x16xf32>,
        %swap3A_536 = vector.shape_cast %swap3A_535 : vector<1x1x16xf32> to vector<16xf32>
        %swap3A_537 = vector.shape_cast %get3A_531 : vector<16xf32> to vector<1x1x16xf32>
        tpu.vector_store %arg10[%swap3A_532, %swap3A_533, %swap3A_534], %swap3A_537 {add = true, strides = array<i32>} : memref<4x16x768xf32, #tpu.memory_space<vmem>>, vector<1x1x16xf32>,
        %get3A_538 = arith.index_cast %rem3A_337 : i32 to index
        %get3A_539 = arith.index_cast %scan3A_429 : i32 to index
        %get3A_540 = arith.constant 160 : index
        %get3A_541 = tpu.vector_load %arg9[%get3A_538, %get3A_539, %get3A_540] {strides = array<i32>} : memref<4x16x768xf32, #tpu.memory_space<vmem>>, vector<1x1x16xf32>,
        %get3A_542 = vector.shape_cast %get3A_541 : vector<1x1x16xf32> to vector<16xf32>
        %swap3A_543 = arith.index_cast %rem3A_337 : i32 to index
        %swap3A_544 = arith.index_cast %scan3A_429 : i32 to index
        %swap3A_545 = arith.constant 160 : index
        %swap3A_546 = tpu.vector_load %arg10[%swap3A_543, %swap3A_544, %swap3A_545] {strides = array<i32>} : memref<4x16x768xf32, #tpu.memory_space<vmem>>, vector<1x1x16xf32>,
        %swap3A_547 = vector.shape_cast %swap3A_546 : vector<1x1x16xf32> to vector<16xf32>
        %swap3A_548 = vector.shape_cast %get3A_542 : vector<16xf32> to vector<1x1x16xf32>
        tpu.vector_store %arg10[%swap3A_543, %swap3A_544, %swap3A_545], %swap3A_548 {add = true, strides = array<i32>} : memref<4x16x768xf32, #tpu.memory_space<vmem>>, vector<1x1x16xf32>,
        %get3A_549 = arith.index_cast %rem3A_337 : i32 to index
        %get3A_550 = arith.index_cast %scan3A_429 : i32 to index
        %get3A_551 = arith.constant 176 : index
        %get3A_552 = tpu.vector_load %arg9[%get3A_549, %get3A_550, %get3A_551] {strides = array<i32>} : memref<4x16x768xf32, #tpu.memory_space<vmem>>, vector<1x1x16xf32>,
        %get3A_553 = vector.shape_cast %get3A_552 : vector<1x1x16xf32> to vector<16xf32>
        %swap3A_554 = arith.index_cast %rem3A_337 : i32 to index
        %swap3A_555 = arith.index_cast %scan3A_429 : i32 to index
        %swap3A_556 = arith.constant 176 : index
        %swap3A_557 = tpu.vector_load %arg10[%swap3A_554, %swap3A_555, %swap3A_556] {strides = array<i32>} : memref<4x16x768xf32, #tpu.memory_space<vmem>>, vector<1x1x16xf32>,
        %swap3A_558 = vector.shape_cast %swap3A_557 : vector<1x1x16xf32> to vector<16xf32>
        %swap3A_559 = vector.shape_cast %get3A_553 : vector<16xf32> to vector<1x1x16xf32>
        tpu.vector_store %arg10[%swap3A_554, %swap3A_555, %swap3A_556], %swap3A_559 {add = true, strides = array<i32>} : memref<4x16x768xf32, #tpu.memory_space<vmem>>, vector<1x1x16xf32>,
        %get3A_560 = arith.index_cast %rem3A_337 : i32 to index
        %get3A_561 = arith.index_cast %scan3A_429 : i32 to index
        %get3A_562 = arith.constant 192 : index
        %get3A_563 = tpu.vector_load %arg9[%get3A_560, %get3A_561, %get3A_562] {strides = array<i32>} : memref<4x16x768xf32, #tpu.memory_space<vmem>>, vector<1x1x16xf32>,
        %get3A_564 = vector.shape_cast %get3A_563 : vector<1x1x16xf32> to vector<16xf32>
        %swap3A_565 = arith.index_cast %rem3A_337 : i32 to index
        %swap3A_566 = arith.index_cast %scan3A_429 : i32 to index
        %swap3A_567 = arith.constant 192 : index
        %swap3A_568 = tpu.vector_load %arg10[%swap3A_565, %swap3A_566, %swap3A_567] {strides = array<i32>} : memref<4x16x768xf32, #tpu.memory_space<vmem>>, vector<1x1x16xf32>,
        %swap3A_569 = vector.shape_cast %swap3A_568 : vector<1x1x16xf32> to vector<16xf32>
        %swap3A_570 = vector.shape_cast %get3A_564 : vector<16xf32> to vector<1x1x16xf32>
        tpu.vector_store %arg10[%swap3A_565, %swap3A_566, %swap3A_567], %swap3A_570 {add = true, strides = array<i32>} : memref<4x16x768xf32, #tpu.memory_space<vmem>>, vector<1x1x16xf32>,
        %get3A_571 = arith.index_cast %rem3A_337 : i32 to index
        %get3A_572 = arith.index_cast %scan3A_429 : i32 to index
        %get3A_573 = arith.constant 208 : index
        %get3A_574 = tpu.vector_load %arg9[%get3A_571, %get3A_572, %get3A_573] {strides = array<i32>} : memref<4x16x768xf32, #tpu.memory_space<vmem>>, vector<1x1x16xf32>,
        %get3A_575 = vector.shape_cast %get3A_574 : vector<1x1x16xf32> to vector<16xf32>
        %swap3A_576 = arith.index_cast %rem3A_337 : i32 to index
        %swap3A_577 = arith.index_cast %scan3A_429 : i32 to index
        %swap3A_578 = arith.constant 208 : index
        %swap3A_579 = tpu.vector_load %arg10[%swap3A_576, %swap3A_577, %swap3A_578] {strides = array<i32>} : memref<4x16x768xf32, #tpu.memory_space<vmem>>, vector<1x1x16xf32>,
        %swap3A_580 = vector.shape_cast %swap3A_579 : vector<1x1x16xf32> to vector<16xf32>
        %swap3A_581 = vector.shape_cast %get3A_575 : vector<16xf32> to vector<1x1x16xf32>
        tpu.vector_store %arg10[%swap3A_576, %swap3A_577, %swap3A_578], %swap3A_581 {add = true, strides = array<i32>} : memref<4x16x768xf32, #tpu.memory_space<vmem>>, vector<1x1x16xf32>,
        %get3A_582 = arith.index_cast %rem3A_337 : i32 to index
        %get3A_583 = arith.index_cast %scan3A_429 : i32 to index
        %get3A_584 = arith.constant 224 : index
        %get3A_585 = tpu.vector_load %arg9[%get3A_582, %get3A_583, %get3A_584] {strides = array<i32>} : memref<4x16x768xf32, #tpu.memory_space<vmem>>, vector<1x1x16xf32>,
        %get3A_586 = vector.shape_cast %get3A_585 : vector<1x1x16xf32> to vector<16xf32>
        %swap3A_587 = arith.index_cast %rem3A_337 : i32 to index
        %swap3A_588 = arith.index_cast %scan3A_429 : i32 to index
        %swap3A_589 = arith.constant 224 : index
        %swap3A_590 = tpu.vector_load %arg10[%swap3A_587, %swap3A_588, %swap3A_589] {strides = array<i32>} : memref<4x16x768xf32, #tpu.memory_space<vmem>>, vector<1x1x16xf32>,
        %swap3A_591 = vector.shape_cast %swap3A_590 : vector<1x1x16xf32> to vector<16xf32>
        %swap3A_592 = vector.shape_cast %get3A_586 : vector<16xf32> to vector<1x1x16xf32>
        tpu.vector_store %arg10[%swap3A_587, %swap3A_588, %swap3A_589], %swap3A_592 {add = true, strides = array<i32>} : memref<4x16x768xf32, #tpu.memory_space<vmem>>, vector<1x1x16xf32>,
        %get3A_593 = arith.index_cast %rem3A_337 : i32 to index
        %get3A_594 = arith.index_cast %scan3A_429 : i32 to index
        %get3A_595 = arith.constant 240 : index
        %get3A_596 = tpu.vector_load %arg9[%get3A_593, %get3A_594, %get3A_595] {strides = array<i32>} : memref<4x16x768xf32, #tpu.memory_space<vmem>>, vector<1x1x16xf32>,
        %get3A_597 = vector.shape_cast %get3A_596 : vector<1x1x16xf32> to vector<16xf32>
        %swap3A_598 = arith.index_cast %rem3A_337 : i32 to index
        %swap3A_599 = arith.index_cast %scan3A_429 : i32 to index
        %swap3A_600 = arith.constant 240 : index
        %swap3A_601 = tpu.vector_load %arg10[%swap3A_598, %swap3A_599, %swap3A_600] {strides = array<i32>} : memref<4x16x768xf32, #tpu.memory_space<vmem>>, vector<1x1x16xf32>,
        %swap3A_602 = vector.shape_cast %swap3A_601 : vector<1x1x16xf32> to vector<16xf32>
        %swap3A_603 = vector.shape_cast %get3A_597 : vector<16xf32> to vector<1x1x16xf32>
        tpu.vector_store %arg10[%swap3A_598, %swap3A_599, %swap3A_600], %swap3A_603 {add = true, strides = array<i32>} : memref<4x16x768xf32, #tpu.memory_space<vmem>>, vector<1x1x16xf32>,
        %get3A_604 = arith.index_cast %rem3A_337 : i32 to index
        %get3A_605 = arith.index_cast %scan3A_429 : i32 to index
        %get3A_606 = arith.constant 256 : index
        %get3A_607 = tpu.vector_load %arg9[%get3A_604, %get3A_605, %get3A_606] {strides = array<i32>} : memref<4x16x768xf32, #tpu.memory_space<vmem>>, vector<1x1x16xf32>,
        %get3A_608 = vector.shape_cast %get3A_607 : vector<1x1x16xf32> to vector<16xf32>
        %swap3A_609 = arith.index_cast %rem3A_337 : i32 to index
        %swap3A_610 = arith.index_cast %scan3A_429 : i32 to index
        %swap3A_611 = arith.constant 256 : index
        %swap3A_612 = tpu.vector_load %arg10[%swap3A_609, %swap3A_610, %swap3A_611] {strides = array<i32>} : memref<4x16x768xf32, #tpu.memory_space<vmem>>, vector<1x1x16xf32>,
        %swap3A_613 = vector.shape_cast %swap3A_612 : vector<1x1x16xf32> to vector<16xf32>
        %swap3A_614 = vector.shape_cast %get3A_608 : vector<16xf32> to vector<1x1x16xf32>
        tpu.vector_store %arg10[%swap3A_609, %swap3A_610, %swap3A_611], %swap3A_614 {add = true, strides = array<i32>} : memref<4x16x768xf32, #tpu.memory_space<vmem>>, vector<1x1x16xf32>,
        %get3A_615 = arith.index_cast %rem3A_337 : i32 to index
        %get3A_616 = arith.index_cast %scan3A_429 : i32 to index
        %get3A_617 = arith.constant 272 : index
        %get3A_618 = tpu.vector_load %arg9[%get3A_615, %get3A_616, %get3A_617] {strides = array<i32>} : memref<4x16x768xf32, #tpu.memory_space<vmem>>, vector<1x1x16xf32>,
        %get3A_619 = vector.shape_cast %get3A_618 : vector<1x1x16xf32> to vector<16xf32>
        %swap3A_620 = arith.index_cast %rem3A_337 : i32 to index
        %swap3A_621 = arith.index_cast %scan3A_429 : i32 to index
        %swap3A_622 = arith.constant 272 : index
        %swap3A_623 = tpu.vector_load %arg10[%swap3A_620, %swap3A_621, %swap3A_622] {strides = array<i32>} : memref<4x16x768xf32, #tpu.memory_space<vmem>>, vector<1x1x16xf32>,
        %swap3A_624 = vector.shape_cast %swap3A_623 : vector<1x1x16xf32> to vector<16xf32>
        %swap3A_625 = vector.shape_cast %get3A_619 : vector<16xf32> to vector<1x1x16xf32>
        tpu.vector_store %arg10[%swap3A_620, %swap3A_621, %swap3A_622], %swap3A_625 {add = true, strides = array<i32>} : memref<4x16x768xf32, #tpu.memory_space<vmem>>, vector<1x1x16xf32>,
        %get3A_626 = arith.index_cast %rem3A_337 : i32 to index
        %get3A_627 = arith.index_cast %scan3A_429 : i32 to index
        %get3A_628 = arith.constant 288 : index
        %get3A_629 = tpu.vector_load %arg9[%get3A_626, %get3A_627, %get3A_628] {strides = array<i32>} : memref<4x16x768xf32, #tpu.memory_space<vmem>>, vector<1x1x16xf32>,
        %get3A_630 = vector.shape_cast %get3A_629 : vector<1x1x16xf32> to vector<16xf32>
        %swap3A_631 = arith.index_cast %rem3A_337 : i32 to index
        %swap3A_632 = arith.index_cast %scan3A_429 : i32 to index
        %swap3A_633 = arith.constant 288 : index
        %swap3A_634 = tpu.vector_load %arg10[%swap3A_631, %swap3A_632, %swap3A_633] {strides = array<i32>} : memref<4x16x768xf32, #tpu.memory_space<vmem>>, vector<1x1x16xf32>,
        %swap3A_635 = vector.shape_cast %swap3A_634 : vector<1x1x16xf32> to vector<16xf32>
        %swap3A_636 = vector.shape_cast %get3A_630 : vector<16xf32> to vector<1x1x16xf32>
        tpu.vector_store %arg10[%swap3A_631, %swap3A_632, %swap3A_633], %swap3A_636 {add = true, strides = array<i32>} : memref<4x16x768xf32, #tpu.memory_space<vmem>>, vector<1x1x16xf32>,
        %get3A_637 = arith.index_cast %rem3A_337 : i32 to index
        %get3A_638 = arith.index_cast %scan3A_429 : i32 to index
        %get3A_639 = arith.constant 304 : index
        %get3A_640 = tpu.vector_load %arg9[%get3A_637, %get3A_638, %get3A_639] {strides = array<i32>} : memref<4x16x768xf32, #tpu.memory_space<vmem>>, vector<1x1x16xf32>,
        %get3A_641 = vector.shape_cast %get3A_640 : vector<1x1x16xf32> to vector<16xf32>
        %swap3A_642 = arith.index_cast %rem3A_337 : i32 to index
        %swap3A_643 = arith.index_cast %scan3A_429 : i32 to index
        %swap3A_644 = arith.constant 304 : index
        %swap3A_645 = tpu.vector_load %arg10[%swap3A_642, %swap3A_643, %swap3A_644] {strides = array<i32>} : memref<4x16x768xf32, #tpu.memory_space<vmem>>, vector<1x1x16xf32>,
        %swap3A_646 = vector.shape_cast %swap3A_645 : vector<1x1x16xf32> to vector<16xf32>
        %swap3A_647 = vector.shape_cast %get3A_641 : vector<16xf32> to vector<1x1x16xf32>
        tpu.vector_store %arg10[%swap3A_642, %swap3A_643, %swap3A_644], %swap3A_647 {add = true, strides = array<i32>} : memref<4x16x768xf32, #tpu.memory_space<vmem>>, vector<1x1x16xf32>,
        %get3A_648 = arith.index_cast %rem3A_337 : i32 to index
        %get3A_649 = arith.index_cast %scan3A_429 : i32 to index
        %get3A_650 = arith.constant 320 : index
        %get3A_651 = tpu.vector_load %arg9[%get3A_648, %get3A_649, %get3A_650] {strides = array<i32>} : memref<4x16x768xf32, #tpu.memory_space<vmem>>, vector<1x1x16xf32>,
        %get3A_652 = vector.shape_cast %get3A_651 : vector<1x1x16xf32> to vector<16xf32>
        %swap3A_653 = arith.index_cast %rem3A_337 : i32 to index
        %swap3A_654 = arith.index_cast %scan3A_429 : i32 to index
        %swap3A_655 = arith.constant 320 : index
        %swap3A_656 = tpu.vector_load %arg10[%swap3A_653, %swap3A_654, %swap3A_655] {strides = array<i32>} : memref<4x16x768xf32, #tpu.memory_space<vmem>>, vector<1x1x16xf32>,
        %swap3A_657 = vector.shape_cast %swap3A_656 : vector<1x1x16xf32> to vector<16xf32>
        %swap3A_658 = vector.shape_cast %get3A_652 : vector<16xf32> to vector<1x1x16xf32>
        tpu.vector_store %arg10[%swap3A_653, %swap3A_654, %swap3A_655], %swap3A_658 {add = true, strides = array<i32>} : memref<4x16x768xf32, #tpu.memory_space<vmem>>, vector<1x1x16xf32>,
        %get3A_659 = arith.index_cast %rem3A_337 : i32 to index
        %get3A_660 = arith.index_cast %scan3A_429 : i32 to index
        %get3A_661 = arith.constant 336 : index
        %get3A_662 = tpu.vector_load %arg9[%get3A_659, %get3A_660, %get3A_661] {strides = array<i32>} : memref<4x16x768xf32, #tpu.memory_space<vmem>>, vector<1x1x16xf32>,
        %get3A_663 = vector.shape_cast %get3A_662 : vector<1x1x16xf32> to vector<16xf32>
        %swap3A_664 = arith.index_cast %rem3A_337 : i32 to index
        %swap3A_665 = arith.index_cast %scan3A_429 : i32 to index
        %swap3A_666 = arith.constant 336 : index
        %swap3A_667 = tpu.vector_load %arg10[%swap3A_664, %swap3A_665, %swap3A_666] {strides = array<i32>} : memref<4x16x768xf32, #tpu.memory_space<vmem>>, vector<1x1x16xf32>,
        %swap3A_668 = vector.shape_cast %swap3A_667 : vector<1x1x16xf32> to vector<16xf32>
        %swap3A_669 = vector.shape_cast %get3A_663 : vector<16xf32> to vector<1x1x16xf32>
        tpu.vector_store %arg10[%swap3A_664, %swap3A_665, %swap3A_666], %swap3A_669 {add = true, strides = array<i32>} : memref<4x16x768xf32, #tpu.memory_space<vmem>>, vector<1x1x16xf32>,
        %get3A_670 = arith.index_cast %rem3A_337 : i32 to index
        %get3A_671 = arith.index_cast %scan3A_429 : i32 to index
        %get3A_672 = arith.constant 352 : index
        %get3A_673 = tpu.vector_load %arg9[%get3A_670, %get3A_671, %get3A_672] {strides = array<i32>} : memref<4x16x768xf32, #tpu.memory_space<vmem>>, vector<1x1x16xf32>,
        %get3A_674 = vector.shape_cast %get3A_673 : vector<1x1x16xf32> to vector<16xf32>
        %swap3A_675 = arith.index_cast %rem3A_337 : i32 to index
        %swap3A_676 = arith.index_cast %scan3A_429 : i32 to index
        %swap3A_677 = arith.constant 352 : index
        %swap3A_678 = tpu.vector_load %arg10[%swap3A_675, %swap3A_676, %swap3A_677] {strides = array<i32>} : memref<4x16x768xf32, #tpu.memory_space<vmem>>, vector<1x1x16xf32>,
        %swap3A_679 = vector.shape_cast %swap3A_678 : vector<1x1x16xf32> to vector<16xf32>
        %swap3A_680 = vector.shape_cast %get3A_674 : vector<16xf32> to vector<1x1x16xf32>
        tpu.vector_store %arg10[%swap3A_675, %swap3A_676, %swap3A_677], %swap3A_680 {add = true, strides = array<i32>} : memref<4x16x768xf32, #tpu.memory_space<vmem>>, vector<1x1x16xf32>,
        %get3A_681 = arith.index_cast %rem3A_337 : i32 to index
        %get3A_682 = arith.index_cast %scan3A_429 : i32 to index
        %get3A_683 = arith.constant 368 : index
        %get3A_684 = tpu.vector_load %arg9[%get3A_681, %get3A_682, %get3A_683] {strides = array<i32>} : memref<4x16x768xf32, #tpu.memory_space<vmem>>, vector<1x1x16xf32>,
        %get3A_685 = vector.shape_cast %get3A_684 : vector<1x1x16xf32> to vector<16xf32>
        %swap3A_686 = arith.index_cast %rem3A_337 : i32 to index
        %swap3A_687 = arith.index_cast %scan3A_429 : i32 to index
        %swap3A_688 = arith.constant 368 : index
        %swap3A_689 = tpu.vector_load %arg10[%swap3A_686, %swap3A_687, %swap3A_688] {strides = array<i32>} : memref<4x16x768xf32, #tpu.memory_space<vmem>>, vector<1x1x16xf32>,
        %swap3A_690 = vector.shape_cast %swap3A_689 : vector<1x1x16xf32> to vector<16xf32>
        %swap3A_691 = vector.shape_cast %get3A_685 : vector<16xf32> to vector<1x1x16xf32>
        tpu.vector_store %arg10[%swap3A_686, %swap3A_687, %swap3A_688], %swap3A_691 {add = true, strides = array<i32>} : memref<4x16x768xf32, #tpu.memory_space<vmem>>, vector<1x1x16xf32>,
        %get3A_692 = arith.index_cast %rem3A_337 : i32 to index
        %get3A_693 = arith.index_cast %scan3A_429 : i32 to index
        %get3A_694 = arith.constant 384 : index
        %get3A_695 = tpu.vector_load %arg9[%get3A_692, %get3A_693, %get3A_694] {strides = array<i32>} : memref<4x16x768xf32, #tpu.memory_space<vmem>>, vector<1x1x16xf32>,
        %get3A_696 = vector.shape_cast %get3A_695 : vector<1x1x16xf32> to vector<16xf32>
        %swap3A_697 = arith.index_cast %rem3A_337 : i32 to index
        %swap3A_698 = arith.index_cast %scan3A_429 : i32 to index
        %swap3A_699 = arith.constant 384 : index
        %swap3A_700 = tpu.vector_load %arg10[%swap3A_697, %swap3A_698, %swap3A_699] {strides = array<i32>} : memref<4x16x768xf32, #tpu.memory_space<vmem>>, vector<1x1x16xf32>,
        %swap3A_701 = vector.shape_cast %swap3A_700 : vector<1x1x16xf32> to vector<16xf32>
        %swap3A_702 = vector.shape_cast %get3A_696 : vector<16xf32> to vector<1x1x16xf32>
        tpu.vector_store %arg10[%swap3A_697, %swap3A_698, %swap3A_699], %swap3A_702 {add = true, strides = array<i32>} : memref<4x16x768xf32, #tpu.memory_space<vmem>>, vector<1x1x16xf32>,
        %get3A_703 = arith.index_cast %rem3A_337 : i32 to index
        %get3A_704 = arith.index_cast %scan3A_429 : i32 to index
        %get3A_705 = arith.constant 400 : index
        %get3A_706 = tpu.vector_load %arg9[%get3A_703, %get3A_704, %get3A_705] {strides = array<i32>} : memref<4x16x768xf32, #tpu.memory_space<vmem>>, vector<1x1x16xf32>,
        %get3A_707 = vector.shape_cast %get3A_706 : vector<1x1x16xf32> to vector<16xf32>
        %swap3A_708 = arith.index_cast %rem3A_337 : i32 to index
        %swap3A_709 = arith.index_cast %scan3A_429 : i32 to index
        %swap3A_710 = arith.constant 400 : index
        %swap3A_711 = tpu.vector_load %arg10[%swap3A_708, %swap3A_709, %swap3A_710] {strides = array<i32>} : memref<4x16x768xf32, #tpu.memory_space<vmem>>, vector<1x1x16xf32>,
        %swap3A_712 = vector.shape_cast %swap3A_711 : vector<1x1x16xf32> to vector<16xf32>
        %swap3A_713 = vector.shape_cast %get3A_707 : vector<16xf32> to vector<1x1x16xf32>
        tpu.vector_store %arg10[%swap3A_708, %swap3A_709, %swap3A_710], %swap3A_713 {add = true, strides = array<i32>} : memref<4x16x768xf32, #tpu.memory_space<vmem>>, vector<1x1x16xf32>,
        %get3A_714 = arith.index_cast %rem3A_337 : i32 to index
        %get3A_715 = arith.index_cast %scan3A_429 : i32 to index
        %get3A_716 = arith.constant 416 : index
        %get3A_717 = tpu.vector_load %arg9[%get3A_714, %get3A_715, %get3A_716] {strides = array<i32>} : memref<4x16x768xf32, #tpu.memory_space<vmem>>, vector<1x1x16xf32>,
        %get3A_718 = vector.shape_cast %get3A_717 : vector<1x1x16xf32> to vector<16xf32>
        %swap3A_719 = arith.index_cast %rem3A_337 : i32 to index
        %swap3A_720 = arith.index_cast %scan3A_429 : i32 to index
        %swap3A_721 = arith.constant 416 : index
        %swap3A_722 = tpu.vector_load %arg10[%swap3A_719, %swap3A_720, %swap3A_721] {strides = array<i32>} : memref<4x16x768xf32, #tpu.memory_space<vmem>>, vector<1x1x16xf32>,
        %swap3A_723 = vector.shape_cast %swap3A_722 : vector<1x1x16xf32> to vector<16xf32>
        %swap3A_724 = vector.shape_cast %get3A_718 : vector<16xf32> to vector<1x1x16xf32>
        tpu.vector_store %arg10[%swap3A_719, %swap3A_720, %swap3A_721], %swap3A_724 {add = true, strides = array<i32>} : memref<4x16x768xf32, #tpu.memory_space<vmem>>, vector<1x1x16xf32>,
        %get3A_725 = arith.index_cast %rem3A_337 : i32 to index
        %get3A_726 = arith.index_cast %scan3A_429 : i32 to index
        %get3A_727 = arith.constant 432 : index
        %get3A_728 = tpu.vector_load %arg9[%get3A_725, %get3A_726, %get3A_727] {strides = array<i32>} : memref<4x16x768xf32, #tpu.memory_space<vmem>>, vector<1x1x16xf32>,
        %get3A_729 = vector.shape_cast %get3A_728 : vector<1x1x16xf32> to vector<16xf32>
        %swap3A_730 = arith.index_cast %rem3A_337 : i32 to index
        %swap3A_731 = arith.index_cast %scan3A_429 : i32 to index
        %swap3A_732 = arith.constant 432 : index
        %swap3A_733 = tpu.vector_load %arg10[%swap3A_730, %swap3A_731, %swap3A_732] {strides = array<i32>} : memref<4x16x768xf32, #tpu.memory_space<vmem>>, vector<1x1x16xf32>,
        %swap3A_734 = vector.shape_cast %swap3A_733 : vector<1x1x16xf32> to vector<16xf32>
        %swap3A_735 = vector.shape_cast %get3A_729 : vector<16xf32> to vector<1x1x16xf32>
        tpu.vector_store %arg10[%swap3A_730, %swap3A_731, %swap3A_732], %swap3A_735 {add = true, strides = array<i32>} : memref<4x16x768xf32, #tpu.memory_space<vmem>>, vector<1x1x16xf32>,
        %get3A_736 = arith.index_cast %rem3A_337 : i32 to index
        %get3A_737 = arith.index_cast %scan3A_429 : i32 to index
        %get3A_738 = arith.constant 448 : index
        %get3A_739 = tpu.vector_load %arg9[%get3A_736, %get3A_737, %get3A_738] {strides = array<i32>} : memref<4x16x768xf32, #tpu.memory_space<vmem>>, vector<1x1x16xf32>,
        %get3A_740 = vector.shape_cast %get3A_739 : vector<1x1x16xf32> to vector<16xf32>
        %swap3A_741 = arith.index_cast %rem3A_337 : i32 to index
        %swap3A_742 = arith.index_cast %scan3A_429 : i32 to index
        %swap3A_743 = arith.constant 448 : index
        %swap3A_744 = tpu.vector_load %arg10[%swap3A_741, %swap3A_742, %swap3A_743] {strides = array<i32>} : memref<4x16x768xf32, #tpu.memory_space<vmem>>, vector<1x1x16xf32>,
        %swap3A_745 = vector.shape_cast %swap3A_744 : vector<1x1x16xf32> to vector<16xf32>
        %swap3A_746 = vector.shape_cast %get3A_740 : vector<16xf32> to vector<1x1x16xf32>
        tpu.vector_store %arg10[%swap3A_741, %swap3A_742, %swap3A_743], %swap3A_746 {add = true, strides = array<i32>} : memref<4x16x768xf32, #tpu.memory_space<vmem>>, vector<1x1x16xf32>,
        %get3A_747 = arith.index_cast %rem3A_337 : i32 to index
        %get3A_748 = arith.index_cast %scan3A_429 : i32 to index
        %get3A_749 = arith.constant 464 : index
        %get3A_750 = tpu.vector_load %arg9[%get3A_747, %get3A_748, %get3A_749] {strides = array<i32>} : memref<4x16x768xf32, #tpu.memory_space<vmem>>, vector<1x1x16xf32>,
        %get3A_751 = vector.shape_cast %get3A_750 : vector<1x1x16xf32> to vector<16xf32>
        %swap3A_752 = arith.index_cast %rem3A_337 : i32 to index
        %swap3A_753 = arith.index_cast %scan3A_429 : i32 to index
        %swap3A_754 = arith.constant 464 : index
        %swap3A_755 = tpu.vector_load %arg10[%swap3A_752, %swap3A_753, %swap3A_754] {strides = array<i32>} : memref<4x16x768xf32, #tpu.memory_space<vmem>>, vector<1x1x16xf32>,
        %swap3A_756 = vector.shape_cast %swap3A_755 : vector<1x1x16xf32> to vector<16xf32>
        %swap3A_757 = vector.shape_cast %get3A_751 : vector<16xf32> to vector<1x1x16xf32>
        tpu.vector_store %arg10[%swap3A_752, %swap3A_753, %swap3A_754], %swap3A_757 {add = true, strides = array<i32>} : memref<4x16x768xf32, #tpu.memory_space<vmem>>, vector<1x1x16xf32>,
        %get3A_758 = arith.index_cast %rem3A_337 : i32 to index
        %get3A_759 = arith.index_cast %scan3A_429 : i32 to index
        %get3A_760 = arith.constant 480 : index
        %get3A_761 = tpu.vector_load %arg9[%get3A_758, %get3A_759, %get3A_760] {strides = array<i32>} : memref<4x16x768xf32, #tpu.memory_space<vmem>>, vector<1x1x16xf32>,
        %get3A_762 = vector.shape_cast %get3A_761 : vector<1x1x16xf32> to vector<16xf32>
        %swap3A_763 = arith.index_cast %rem3A_337 : i32 to index
        %swap3A_764 = arith.index_cast %scan3A_429 : i32 to index
        %swap3A_765 = arith.constant 480 : index
        %swap3A_766 = tpu.vector_load %arg10[%swap3A_763, %swap3A_764, %swap3A_765] {strides = array<i32>} : memref<4x16x768xf32, #tpu.memory_space<vmem>>, vector<1x1x16xf32>,
        %swap3A_767 = vector.shape_cast %swap3A_766 : vector<1x1x16xf32> to vector<16xf32>
        %swap3A_768 = vector.shape_cast %get3A_762 : vector<16xf32> to vector<1x1x16xf32>
        tpu.vector_store %arg10[%swap3A_763, %swap3A_764, %swap3A_765], %swap3A_768 {add = true, strides = array<i32>} : memref<4x16x768xf32, #tpu.memory_space<vmem>>, vector<1x1x16xf32>,
        %get3A_769 = arith.index_cast %rem3A_337 : i32 to index
        %get3A_770 = arith.index_cast %scan3A_429 : i32 to index
        %get3A_771 = arith.constant 496 : index
        %get3A_772 = tpu.vector_load %arg9[%get3A_769, %get3A_770, %get3A_771] {strides = array<i32>} : memref<4x16x768xf32, #tpu.memory_space<vmem>>, vector<1x1x16xf32>,
        %get3A_773 = vector.shape_cast %get3A_772 : vector<1x1x16xf32> to vector<16xf32>
        %swap3A_774 = arith.index_cast %rem3A_337 : i32 to index
        %swap3A_775 = arith.index_cast %scan3A_429 : i32 to index
        %swap3A_776 = arith.constant 496 : index
        %swap3A_777 = tpu.vector_load %arg10[%swap3A_774, %swap3A_775, %swap3A_776] {strides = array<i32>} : memref<4x16x768xf32, #tpu.memory_space<vmem>>, vector<1x1x16xf32>,
        %swap3A_778 = vector.shape_cast %swap3A_777 : vector<1x1x16xf32> to vector<16xf32>
        %swap3A_779 = vector.shape_cast %get3A_773 : vector<16xf32> to vector<1x1x16xf32>
        tpu.vector_store %arg10[%swap3A_774, %swap3A_775, %swap3A_776], %swap3A_779 {add = true, strides = array<i32>} : memref<4x16x768xf32, #tpu.memory_space<vmem>>, vector<1x1x16xf32>,
        %get3A_780 = arith.index_cast %rem3A_337 : i32 to index
        %get3A_781 = arith.index_cast %scan3A_429 : i32 to index
        %get3A_782 = arith.constant 512 : index
        %get3A_783 = tpu.vector_load %arg9[%get3A_780, %get3A_781, %get3A_782] {strides = array<i32>} : memref<4x16x768xf32, #tpu.memory_space<vmem>>, vector<1x1x16xf32>,
        %get3A_784 = vector.shape_cast %get3A_783 : vector<1x1x16xf32> to vector<16xf32>
        %swap3A_785 = arith.index_cast %rem3A_337 : i32 to index
        %swap3A_786 = arith.index_cast %scan3A_429 : i32 to index
        %swap3A_787 = arith.constant 512 : index
        %swap3A_788 = tpu.vector_load %arg10[%swap3A_785, %swap3A_786, %swap3A_787] {strides = array<i32>} : memref<4x16x768xf32, #tpu.memory_space<vmem>>, vector<1x1x16xf32>,
        %swap3A_789 = vector.shape_cast %swap3A_788 : vector<1x1x16xf32> to vector<16xf32>
        %swap3A_790 = vector.shape_cast %get3A_784 : vector<16xf32> to vector<1x1x16xf32>
        tpu.vector_store %arg10[%swap3A_785, %swap3A_786, %swap3A_787], %swap3A_790 {add = true, strides = array<i32>} : memref<4x16x768xf32, #tpu.memory_space<vmem>>, vector<1x1x16xf32>,
        %get3A_791 = arith.index_cast %rem3A_337 : i32 to index
        %get3A_792 = arith.index_cast %scan3A_429 : i32 to index
        %get3A_793 = arith.constant 528 : index
        %get3A_794 = tpu.vector_load %arg9[%get3A_791, %get3A_792, %get3A_793] {strides = array<i32>} : memref<4x16x768xf32, #tpu.memory_space<vmem>>, vector<1x1x16xf32>,
        %get3A_795 = vector.shape_cast %get3A_794 : vector<1x1x16xf32> to vector<16xf32>
        %swap3A_796 = arith.index_cast %rem3A_337 : i32 to index
        %swap3A_797 = arith.index_cast %scan3A_429 : i32 to index
        %swap3A_798 = arith.constant 528 : index
        %swap3A_799 = tpu.vector_load %arg10[%swap3A_796, %swap3A_797, %swap3A_798] {strides = array<i32>} : memref<4x16x768xf32, #tpu.memory_space<vmem>>, vector<1x1x16xf32>,
        %swap3A_800 = vector.shape_cast %swap3A_799 : vector<1x1x16xf32> to vector<16xf32>
        %swap3A_801 = vector.shape_cast %get3A_795 : vector<16xf32> to vector<1x1x16xf32>
        tpu.vector_store %arg10[%swap3A_796, %swap3A_797, %swap3A_798], %swap3A_801 {add = true, strides = array<i32>} : memref<4x16x768xf32, #tpu.memory_space<vmem>>, vector<1x1x16xf32>,
        %get3A_802 = arith.index_cast %rem3A_337 : i32 to index
        %get3A_803 = arith.index_cast %scan3A_429 : i32 to index
        %get3A_804 = arith.constant 544 : index
        %get3A_805 = tpu.vector_load %arg9[%get3A_802, %get3A_803, %get3A_804] {strides = array<i32>} : memref<4x16x768xf32, #tpu.memory_space<vmem>>, vector<1x1x16xf32>,
        %get3A_806 = vector.shape_cast %get3A_805 : vector<1x1x16xf32> to vector<16xf32>
        %swap3A_807 = arith.index_cast %rem3A_337 : i32 to index
        %swap3A_808 = arith.index_cast %scan3A_429 : i32 to index
        %swap3A_809 = arith.constant 544 : index
        %swap3A_810 = tpu.vector_load %arg10[%swap3A_807, %swap3A_808, %swap3A_809] {strides = array<i32>} : memref<4x16x768xf32, #tpu.memory_space<vmem>>, vector<1x1x16xf32>,
        %swap3A_811 = vector.shape_cast %swap3A_810 : vector<1x1x16xf32> to vector<16xf32>
        %swap3A_812 = vector.shape_cast %get3A_806 : vector<16xf32> to vector<1x1x16xf32>
        tpu.vector_store %arg10[%swap3A_807, %swap3A_808, %swap3A_809], %swap3A_812 {add = true, strides = array<i32>} : memref<4x16x768xf32, #tpu.memory_space<vmem>>, vector<1x1x16xf32>,
        %get3A_813 = arith.index_cast %rem3A_337 : i32 to index
        %get3A_814 = arith.index_cast %scan3A_429 : i32 to index
        %get3A_815 = arith.constant 560 : index
        %get3A_816 = tpu.vector_load %arg9[%get3A_813, %get3A_814, %get3A_815] {strides = array<i32>} : memref<4x16x768xf32, #tpu.memory_space<vmem>>, vector<1x1x16xf32>,
        %get3A_817 = vector.shape_cast %get3A_816 : vector<1x1x16xf32> to vector<16xf32>
        %swap3A_818 = arith.index_cast %rem3A_337 : i32 to index
        %swap3A_819 = arith.index_cast %scan3A_429 : i32 to index
        %swap3A_820 = arith.constant 560 : index
        %swap3A_821 = tpu.vector_load %arg10[%swap3A_818, %swap3A_819, %swap3A_820] {strides = array<i32>} : memref<4x16x768xf32, #tpu.memory_space<vmem>>, vector<1x1x16xf32>,
        %swap3A_822 = vector.shape_cast %swap3A_821 : vector<1x1x16xf32> to vector<16xf32>
        %swap3A_823 = vector.shape_cast %get3A_817 : vector<16xf32> to vector<1x1x16xf32>
        tpu.vector_store %arg10[%swap3A_818, %swap3A_819, %swap3A_820], %swap3A_823 {add = true, strides = array<i32>} : memref<4x16x768xf32, #tpu.memory_space<vmem>>, vector<1x1x16xf32>,
        %get3A_824 = arith.index_cast %rem3A_337 : i32 to index
        %get3A_825 = arith.index_cast %scan3A_429 : i32 to index
        %get3A_826 = arith.constant 576 : index
        %get3A_827 = tpu.vector_load %arg9[%get3A_824, %get3A_825, %get3A_826] {strides = array<i32>} : memref<4x16x768xf32, #tpu.memory_space<vmem>>, vector<1x1x16xf32>,
        %get3A_828 = vector.shape_cast %get3A_827 : vector<1x1x16xf32> to vector<16xf32>
        %swap3A_829 = arith.index_cast %rem3A_337 : i32 to index
        %swap3A_830 = arith.index_cast %scan3A_429 : i32 to index
        %swap3A_831 = arith.constant 576 : index
        %swap3A_832 = tpu.vector_load %arg10[%swap3A_829, %swap3A_830, %swap3A_831] {strides = array<i32>} : memref<4x16x768xf32, #tpu.memory_space<vmem>>, vector<1x1x16xf32>,
        %swap3A_833 = vector.shape_cast %swap3A_832 : vector<1x1x16xf32> to vector<16xf32>
        %swap3A_834 = vector.shape_cast %get3A_828 : vector<16xf32> to vector<1x1x16xf32>
        tpu.vector_store %arg10[%swap3A_829, %swap3A_830, %swap3A_831], %swap3A_834 {add = true, strides = array<i32>} : memref<4x16x768xf32, #tpu.memory_space<vmem>>, vector<1x1x16xf32>,
        %get3A_835 = arith.index_cast %rem3A_337 : i32 to index
        %get3A_836 = arith.index_cast %scan3A_429 : i32 to index
        %get3A_837 = arith.constant 592 : index
        %get3A_838 = tpu.vector_load %arg9[%get3A_835, %get3A_836, %get3A_837] {strides = array<i32>} : memref<4x16x768xf32, #tpu.memory_space<vmem>>, vector<1x1x16xf32>,
        %get3A_839 = vector.shape_cast %get3A_838 : vector<1x1x16xf32> to vector<16xf32>
        %swap3A_840 = arith.index_cast %rem3A_337 : i32 to index
        %swap3A_841 = arith.index_cast %scan3A_429 : i32 to index
        %swap3A_842 = arith.constant 592 : index
        %swap3A_843 = tpu.vector_load %arg10[%swap3A_840, %swap3A_841, %swap3A_842] {strides = array<i32>} : memref<4x16x768xf32, #tpu.memory_space<vmem>>, vector<1x1x16xf32>,
        %swap3A_844 = vector.shape_cast %swap3A_843 : vector<1x1x16xf32> to vector<16xf32>
        %swap3A_845 = vector.shape_cast %get3A_839 : vector<16xf32> to vector<1x1x16xf32>
        tpu.vector_store %arg10[%swap3A_840, %swap3A_841, %swap3A_842], %swap3A_845 {add = true, strides = array<i32>} : memref<4x16x768xf32, #tpu.memory_space<vmem>>, vector<1x1x16xf32>,
        %get3A_846 = arith.index_cast %rem3A_337 : i32 to index
        %get3A_847 = arith.index_cast %scan3A_429 : i32 to index
        %get3A_848 = arith.constant 608 : index
        %get3A_849 = tpu.vector_load %arg9[%get3A_846, %get3A_847, %get3A_848] {strides = array<i32>} : memref<4x16x768xf32, #tpu.memory_space<vmem>>, vector<1x1x16xf32>,
        %get3A_850 = vector.shape_cast %get3A_849 : vector<1x1x16xf32> to vector<16xf32>
        %swap3A_851 = arith.index_cast %rem3A_337 : i32 to index
        %swap3A_852 = arith.index_cast %scan3A_429 : i32 to index
        %swap3A_853 = arith.constant 608 : index
        %swap3A_854 = tpu.vector_load %arg10[%swap3A_851, %swap3A_852, %swap3A_853] {strides = array<i32>} : memref<4x16x768xf32, #tpu.memory_space<vmem>>, vector<1x1x16xf32>,
        %swap3A_855 = vector.shape_cast %swap3A_854 : vector<1x1x16xf32> to vector<16xf32>
        %swap3A_856 = vector.shape_cast %get3A_850 : vector<16xf32> to vector<1x1x16xf32>
        tpu.vector_store %arg10[%swap3A_851, %swap3A_852, %swap3A_853], %swap3A_856 {add = true, strides = array<i32>} : memref<4x16x768xf32, #tpu.memory_space<vmem>>, vector<1x1x16xf32>,
        %get3A_857 = arith.index_cast %rem3A_337 : i32 to index
        %get3A_858 = arith.index_cast %scan3A_429 : i32 to index
        %get3A_859 = arith.constant 624 : index
        %get3A_860 = tpu.vector_load %arg9[%get3A_857, %get3A_858, %get3A_859] {strides = array<i32>} : memref<4x16x768xf32, #tpu.memory_space<vmem>>, vector<1x1x16xf32>,
        %get3A_861 = vector.shape_cast %get3A_860 : vector<1x1x16xf32> to vector<16xf32>
        %swap3A_862 = arith.index_cast %rem3A_337 : i32 to index
        %swap3A_863 = arith.index_cast %scan3A_429 : i32 to index
        %swap3A_864 = arith.constant 624 : index
        %swap3A_865 = tpu.vector_load %arg10[%swap3A_862, %swap3A_863, %swap3A_864] {strides = array<i32>} : memref<4x16x768xf32, #tpu.memory_space<vmem>>, vector<1x1x16xf32>,
        %swap3A_866 = vector.shape_cast %swap3A_865 : vector<1x1x16xf32> to vector<16xf32>
        %swap3A_867 = vector.shape_cast %get3A_861 : vector<16xf32> to vector<1x1x16xf32>
        tpu.vector_store %arg10[%swap3A_862, %swap3A_863, %swap3A_864], %swap3A_867 {add = true, strides = array<i32>} : memref<4x16x768xf32, #tpu.memory_space<vmem>>, vector<1x1x16xf32>,
        %get3A_868 = arith.index_cast %rem3A_337 : i32 to index
        %get3A_869 = arith.index_cast %scan3A_429 : i32 to index
        %get3A_870 = arith.constant 640 : index
        %get3A_871 = tpu.vector_load %arg9[%get3A_868, %get3A_869, %get3A_870] {strides = array<i32>} : memref<4x16x768xf32, #tpu.memory_space<vmem>>, vector<1x1x16xf32>,
        %get3A_872 = vector.shape_cast %get3A_871 : vector<1x1x16xf32> to vector<16xf32>
        %swap3A_873 = arith.index_cast %rem3A_337 : i32 to index
        %swap3A_874 = arith.index_cast %scan3A_429 : i32 to index
        %swap3A_875 = arith.constant 640 : index
        %swap3A_876 = tpu.vector_load %arg10[%swap3A_873, %swap3A_874, %swap3A_875] {strides = array<i32>} : memref<4x16x768xf32, #tpu.memory_space<vmem>>, vector<1x1x16xf32>,
        %swap3A_877 = vector.shape_cast %swap3A_876 : vector<1x1x16xf32> to vector<16xf32>
        %swap3A_878 = vector.shape_cast %get3A_872 : vector<16xf32> to vector<1x1x16xf32>
        tpu.vector_store %arg10[%swap3A_873, %swap3A_874, %swap3A_875], %swap3A_878 {add = true, strides = array<i32>} : memref<4x16x768xf32, #tpu.memory_space<vmem>>, vector<1x1x16xf32>,
        %get3A_879 = arith.index_cast %rem3A_337 : i32 to index
        %get3A_880 = arith.index_cast %scan3A_429 : i32 to index
        %get3A_881 = arith.constant 656 : index
        %get3A_882 = tpu.vector_load %arg9[%get3A_879, %get3A_880, %get3A_881] {strides = array<i32>} : memref<4x16x768xf32, #tpu.memory_space<vmem>>, vector<1x1x16xf32>,
        %get3A_883 = vector.shape_cast %get3A_882 : vector<1x1x16xf32> to vector<16xf32>
        %swap3A_884 = arith.index_cast %rem3A_337 : i32 to index
        %swap3A_885 = arith.index_cast %scan3A_429 : i32 to index
        %swap3A_886 = arith.constant 656 : index
        %swap3A_887 = tpu.vector_load %arg10[%swap3A_884, %swap3A_885, %swap3A_886] {strides = array<i32>} : memref<4x16x768xf32, #tpu.memory_space<vmem>>, vector<1x1x16xf32>,
        %swap3A_888 = vector.shape_cast %swap3A_887 : vector<1x1x16xf32> to vector<16xf32>
        %swap3A_889 = vector.shape_cast %get3A_883 : vector<16xf32> to vector<1x1x16xf32>
        tpu.vector_store %arg10[%swap3A_884, %swap3A_885, %swap3A_886], %swap3A_889 {add = true, strides = array<i32>} : memref<4x16x768xf32, #tpu.memory_space<vmem>>, vector<1x1x16xf32>,
        %get3A_890 = arith.index_cast %rem3A_337 : i32 to index
        %get3A_891 = arith.index_cast %scan3A_429 : i32 to index
        %get3A_892 = arith.constant 672 : index
        %get3A_893 = tpu.vector_load %arg9[%get3A_890, %get3A_891, %get3A_892] {strides = array<i32>} : memref<4x16x768xf32, #tpu.memory_space<vmem>>, vector<1x1x16xf32>,
        %get3A_894 = vector.shape_cast %get3A_893 : vector<1x1x16xf32> to vector<16xf32>
        %swap3A_895 = arith.index_cast %rem3A_337 : i32 to index
        %swap3A_896 = arith.index_cast %scan3A_429 : i32 to index
        %swap3A_897 = arith.constant 672 : index
        %swap3A_898 = tpu.vector_load %arg10[%swap3A_895, %swap3A_896, %swap3A_897] {strides = array<i32>} : memref<4x16x768xf32, #tpu.memory_space<vmem>>, vector<1x1x16xf32>,
        %swap3A_899 = vector.shape_cast %swap3A_898 : vector<1x1x16xf32> to vector<16xf32>
        %swap3A_900 = vector.shape_cast %get3A_894 : vector<16xf32> to vector<1x1x16xf32>
        tpu.vector_store %arg10[%swap3A_895, %swap3A_896, %swap3A_897], %swap3A_900 {add = true, strides = array<i32>} : memref<4x16x768xf32, #tpu.memory_space<vmem>>, vector<1x1x16xf32>,
        %get3A_901 = arith.index_cast %rem3A_337 : i32 to index
        %get3A_902 = arith.index_cast %scan3A_429 : i32 to index
        %get3A_903 = arith.constant 688 : index
        %get3A_904 = tpu.vector_load %arg9[%get3A_901, %get3A_902, %get3A_903] {strides = array<i32>} : memref<4x16x768xf32, #tpu.memory_space<vmem>>, vector<1x1x16xf32>,
        %get3A_905 = vector.shape_cast %get3A_904 : vector<1x1x16xf32> to vector<16xf32>
        %swap3A_906 = arith.index_cast %rem3A_337 : i32 to index
        %swap3A_907 = arith.index_cast %scan3A_429 : i32 to index
        %swap3A_908 = arith.constant 688 : index
        %swap3A_909 = tpu.vector_load %arg10[%swap3A_906, %swap3A_907, %swap3A_908] {strides = array<i32>} : memref<4x16x768xf32, #tpu.memory_space<vmem>>, vector<1x1x16xf32>,
        %swap3A_910 = vector.shape_cast %swap3A_909 : vector<1x1x16xf32> to vector<16xf32>
        %swap3A_911 = vector.shape_cast %get3A_905 : vector<16xf32> to vector<1x1x16xf32>
        tpu.vector_store %arg10[%swap3A_906, %swap3A_907, %swap3A_908], %swap3A_911 {add = true, strides = array<i32>} : memref<4x16x768xf32, #tpu.memory_space<vmem>>, vector<1x1x16xf32>,
        %get3A_912 = arith.index_cast %rem3A_337 : i32 to index
        %get3A_913 = arith.index_cast %scan3A_429 : i32 to index
        %get3A_914 = arith.constant 704 : index
        %get3A_915 = tpu.vector_load %arg9[%get3A_912, %get3A_913, %get3A_914] {strides = array<i32>} : memref<4x16x768xf32, #tpu.memory_space<vmem>>, vector<1x1x16xf32>,
        %get3A_916 = vector.shape_cast %get3A_915 : vector<1x1x16xf32> to vector<16xf32>
        %swap3A_917 = arith.index_cast %rem3A_337 : i32 to index
        %swap3A_918 = arith.index_cast %scan3A_429 : i32 to index
        %swap3A_919 = arith.constant 704 : index
        %swap3A_920 = tpu.vector_load %arg10[%swap3A_917, %swap3A_918, %swap3A_919] {strides = array<i32>} : memref<4x16x768xf32, #tpu.memory_space<vmem>>, vector<1x1x16xf32>,
        %swap3A_921 = vector.shape_cast %swap3A_920 : vector<1x1x16xf32> to vector<16xf32>
        %swap3A_922 = vector.shape_cast %get3A_916 : vector<16xf32> to vector<1x1x16xf32>
        tpu.vector_store %arg10[%swap3A_917, %swap3A_918, %swap3A_919], %swap3A_922 {add = true, strides = array<i32>} : memref<4x16x768xf32, #tpu.memory_space<vmem>>, vector<1x1x16xf32>,
        %get3A_923 = arith.index_cast %rem3A_337 : i32 to index
        %get3A_924 = arith.index_cast %scan3A_429 : i32 to index
        %get3A_925 = arith.constant 720 : index
        %get3A_926 = tpu.vector_load %arg9[%get3A_923, %get3A_924, %get3A_925] {strides = array<i32>} : memref<4x16x768xf32, #tpu.memory_space<vmem>>, vector<1x1x16xf32>,
        %get3A_927 = vector.shape_cast %get3A_926 : vector<1x1x16xf32> to vector<16xf32>
        %swap3A_928 = arith.index_cast %rem3A_337 : i32 to index
        %swap3A_929 = arith.index_cast %scan3A_429 : i32 to index
        %swap3A_930 = arith.constant 720 : index
        %swap3A_931 = tpu.vector_load %arg10[%swap3A_928, %swap3A_929, %swap3A_930] {strides = array<i32>} : memref<4x16x768xf32, #tpu.memory_space<vmem>>, vector<1x1x16xf32>,
        %swap3A_932 = vector.shape_cast %swap3A_931 : vector<1x1x16xf32> to vector<16xf32>
        %swap3A_933 = vector.shape_cast %get3A_927 : vector<16xf32> to vector<1x1x16xf32>
        tpu.vector_store %arg10[%swap3A_928, %swap3A_929, %swap3A_930], %swap3A_933 {add = true, strides = array<i32>} : memref<4x16x768xf32, #tpu.memory_space<vmem>>, vector<1x1x16xf32>,
        %get3A_934 = arith.index_cast %rem3A_337 : i32 to index
        %get3A_935 = arith.index_cast %scan3A_429 : i32 to index
        %get3A_936 = arith.constant 736 : index
        %get3A_937 = tpu.vector_load %arg9[%get3A_934, %get3A_935, %get3A_936] {strides = array<i32>} : memref<4x16x768xf32, #tpu.memory_space<vmem>>, vector<1x1x16xf32>,
        %get3A_938 = vector.shape_cast %get3A_937 : vector<1x1x16xf32> to vector<16xf32>
        %swap3A_939 = arith.index_cast %rem3A_337 : i32 to index
        %swap3A_940 = arith.index_cast %scan3A_429 : i32 to index
        %swap3A_941 = arith.constant 736 : index
        %swap3A_942 = tpu.vector_load %arg10[%swap3A_939, %swap3A_940, %swap3A_941] {strides = array<i32>} : memref<4x16x768xf32, #tpu.memory_space<vmem>>, vector<1x1x16xf32>,
        %swap3A_943 = vector.shape_cast %swap3A_942 : vector<1x1x16xf32> to vector<16xf32>
        %swap3A_944 = vector.shape_cast %get3A_938 : vector<16xf32> to vector<1x1x16xf32>
        tpu.vector_store %arg10[%swap3A_939, %swap3A_940, %swap3A_941], %swap3A_944 {add = true, strides = array<i32>} : memref<4x16x768xf32, #tpu.memory_space<vmem>>, vector<1x1x16xf32>,
        %get3A_945 = arith.index_cast %rem3A_337 : i32 to index
        %get3A_946 = arith.index_cast %scan3A_429 : i32 to index
        %get3A_947 = arith.constant 752 : index
        %get3A_948 = tpu.vector_load %arg9[%get3A_945, %get3A_946, %get3A_947] {strides = array<i32>} : memref<4x16x768xf32, #tpu.memory_space<vmem>>, vector<1x1x16xf32>,
        %get3A_949 = vector.shape_cast %get3A_948 : vector<1x1x16xf32> to vector<16xf32>
        %swap3A_950 = arith.index_cast %rem3A_337 : i32 to index
        %swap3A_951 = arith.index_cast %scan3A_429 : i32 to index
        %swap3A_952 = arith.constant 752 : index
        %swap3A_953 = tpu.vector_load %arg10[%swap3A_950, %swap3A_951, %swap3A_952] {strides = array<i32>} : memref<4x16x768xf32, #tpu.memory_space<vmem>>, vector<1x1x16xf32>,
        %swap3A_954 = vector.shape_cast %swap3A_953 : vector<1x1x16xf32> to vector<16xf32>
        %swap3A_955 = vector.shape_cast %get3A_949 : vector<16xf32> to vector<1x1x16xf32>
        tpu.vector_store %arg10[%swap3A_950, %swap3A_951, %swap3A_952], %swap3A_955 {add = true, strides = array<i32>} : memref<4x16x768xf32, #tpu.memory_space<vmem>>, vector<1x1x16xf32>,
      }
      %scan3A_408 = arith.constant 16 : i32
      %mul3A_409 = arith.constant 2048 : i32
      %mul3A_410 = arith.muli %rem3A_335, %mul3A_409 : i32
      %add3A_411 = arith.addi %mul3A_410, %mul3A_2 : i32
      %mul3A_412 = arith.constant 16 : i32
      %mul3A_413 = arith.muli %div3A_333, %mul3A_412 : i32
      %add3A_414 = arith.addi %add3A_411, %mul3A_413 : i32
      %dma_start3A_415 = arith.constant 0 : i32
      %dma_start3A_416 = arith.constant 0 : i32
      %dma_start3A_417 = tpu.memref_slice %arg10[%rem3A_337, %dma_start3A_415, %dma_start3A_416] : memref<4x16x768xf32, #tpu.memory_space<vmem>> -> memref<1x16x768xf32, #tpu.memory_space<vmem>>
      %dma_start3A_418 = tpu.memref_squeeze %dma_start3A_417 : memref<1x16x768xf32, #tpu.memory_space<vmem>> -> memref<16x768xf32, #tpu.memory_space<vmem>>
      %dma_start3A_419 = arith.constant 0 : i32
      %dma_start3A_420 = tpu.memref_slice %arg5[%add3A_414, %dma_start3A_419] : memref<8192x768xf32, #tpu.memory_space<hbm>> -> memref<16x768xf32, #tpu.memory_space<hbm>>
      %dma_start3A_421 = tpu.memref_slice %arg16[%rem3A_337] : memref<4x!tpu.dma_semaphore, #tpu.memory_space<semaphore_mem>> -> memref<1x!tpu.dma_semaphore, #tpu.memory_space<semaphore_mem>>
      %dma_start3A_422 = tpu.memref_squeeze %dma_start3A_421 : memref<1x!tpu.dma_semaphore, #tpu.memory_space<semaphore_mem>> -> memref<!tpu.dma_semaphore, #tpu.memory_space<semaphore_mem>>
      %dma_start3A_423 = arith.constant 0 : i32
      %dma_start3A_424 = tpu.memref_slice %arg5[%add3A_414, %dma_start3A_423] : memref<8192x768xf32, #tpu.memory_space<hbm>> -> memref<16x768xf32, #tpu.memory_space<hbm>>
      %dma_start3A_425 = arith.constant 0 : i32
      %dma_start3A_426 = arith.constant 0 : i32
      %dma_start3A_427 = tpu.memref_slice %arg10[%rem3A_337, %dma_start3A_425, %dma_start3A_426] : memref<4x16x768xf32, #tpu.memory_space<vmem>> -> memref<1x16x768xf32, #tpu.memory_space<vmem>>
      %dma_start3A_428 = tpu.memref_squeeze %dma_start3A_427 : memref<1x16x768xf32, #tpu.memory_space<vmem>> -> memref<16x768xf32, #tpu.memory_space<vmem>>
      tpu.enqueue_dma source(%dma_start3A_428 : memref<16x768xf32, #tpu.memory_space<vmem>>) target(%dma_start3A_424 : memref<16x768xf32, #tpu.memory_space<hbm>>) target_semaphore(%dma_start3A_422 : memref<!tpu.dma_semaphore, #tpu.memory_space<semaphore_mem>>)
    }
    %scan3A_187 = arith.constant 16 : i32
    %dma_wait3A_188 = arith.constant 0 : i32
    %dma_wait3A_189 = arith.constant 0 : i32
    %dma_wait3A_190 = arith.constant 0 : i32
    %dma_wait3A_191 = arith.constant 0 : i32
    %dma_wait3A_192 = tpu.memref_slice %arg9[%dma_wait3A_188, %dma_wait3A_190, %dma_wait3A_191] : memref<4x16x768xf32, #tpu.memory_space<vmem>> -> memref<1x16x768xf32, #tpu.memory_space<vmem>>
    %dma_wait3A_193 = tpu.memref_squeeze %dma_wait3A_192 : memref<1x16x768xf32, #tpu.memory_space<vmem>> -> memref<16x768xf32, #tpu.memory_space<vmem>>
    %dma_wait3A_194 = arith.constant 0 : i32
    %dma_wait3A_195 = arith.constant 0 : i32
    %dma_wait3A_196 = tpu.memref_slice %arg6[%dma_wait3A_194, %dma_wait3A_195] : memref<8192x768xf32, #tpu.memory_space<hbm>> -> memref<16x768xf32, #tpu.memory_space<hbm>>
    %dma_wait3A_197 = tpu.memref_slice %arg14[%dma_wait3A_189] : memref<4x!tpu.dma_semaphore, #tpu.memory_space<semaphore_mem>> -> memref<1x!tpu.dma_semaphore, #tpu.memory_space<semaphore_mem>>
    %dma_wait3A_198 = tpu.memref_squeeze %dma_wait3A_197 : memref<1x!tpu.dma_semaphore, #tpu.memory_space<semaphore_mem>> -> memref<!tpu.dma_semaphore, #tpu.memory_space<semaphore_mem>>
    %dma_wait3A_199 = arith.constant 0 : i32
    %dma_wait3A_200 = arith.constant 0 : i32
    %dma_wait3A_201 = tpu.memref_slice %arg6[%dma_wait3A_199, %dma_wait3A_200] : memref<8192x768xf32, #tpu.memory_space<hbm>> -> memref<16x768xf32, #tpu.memory_space<hbm>>
    %dma_wait3A_202 = arith.constant 0 : i32
    %dma_wait3A_203 = arith.constant 0 : i32
    %dma_wait3A_204 = tpu.memref_slice %arg9[%dma_wait3A_188, %dma_wait3A_202, %dma_wait3A_203] : memref<4x16x768xf32, #tpu.memory_space<vmem>> -> memref<1x16x768xf32, #tpu.memory_space<vmem>>
    %dma_wait3A_205 = tpu.memref_squeeze %dma_wait3A_204 : memref<1x16x768xf32, #tpu.memory_space<vmem>> -> memref<16x768xf32, #tpu.memory_space<vmem>>
    tpu.wait_dma2 semaphore(%dma_wait3A_198 : memref<!tpu.dma_semaphore, #tpu.memory_space<semaphore_mem>>) src(%dma_wait3A_205 : memref<16x768xf32, #tpu.memory_space<vmem>>) dst(%dma_wait3A_201 : memref<16x768xf32, #tpu.memory_space<hbm>>)
    %dma_wait3A_206 = arith.constant 0 : i32
    %dma_wait3A_207 = arith.constant 0 : i32
    %dma_wait3A_208 = arith.constant 0 : i32
    %dma_wait3A_209 = arith.constant 0 : i32
    %dma_wait3A_210 = tpu.memref_slice %arg10[%dma_wait3A_206, %dma_wait3A_208, %dma_wait3A_209] : memref<4x16x768xf32, #tpu.memory_space<vmem>> -> memref<1x16x768xf32, #tpu.memory_space<vmem>>
    %dma_wait3A_211 = tpu.memref_squeeze %dma_wait3A_210 : memref<1x16x768xf32, #tpu.memory_space<vmem>> -> memref<16x768xf32, #tpu.memory_space<vmem>>
    %dma_wait3A_212 = arith.constant 0 : i32
    %dma_wait3A_213 = arith.constant 0 : i32
    %dma_wait3A_214 = tpu.memref_slice %arg5[%dma_wait3A_212, %dma_wait3A_213] : memref<8192x768xf32, #tpu.memory_space<hbm>> -> memref<16x768xf32, #tpu.memory_space<hbm>>
    %dma_wait3A_215 = tpu.memref_slice %arg16[%dma_wait3A_207] : memref<4x!tpu.dma_semaphore, #tpu.memory_space<semaphore_mem>> -> memref<1x!tpu.dma_semaphore, #tpu.memory_space<semaphore_mem>>
    %dma_wait3A_216 = tpu.memref_squeeze %dma_wait3A_215 : memref<1x!tpu.dma_semaphore, #tpu.memory_space<semaphore_mem>> -> memref<!tpu.dma_semaphore, #tpu.memory_space<semaphore_mem>>
    %dma_wait3A_217 = arith.constant 0 : i32
    %dma_wait3A_218 = arith.constant 0 : i32
    %dma_wait3A_219 = tpu.memref_slice %arg5[%dma_wait3A_217, %dma_wait3A_218] : memref<8192x768xf32, #tpu.memory_space<hbm>> -> memref<16x768xf32, #tpu.memory_space<hbm>>
    %dma_wait3A_220 = arith.constant 0 : i32
    %dma_wait3A_221 = arith.constant 0 : i32
    %dma_wait3A_222 = tpu.memref_slice %arg10[%dma_wait3A_206, %dma_wait3A_220, %dma_wait3A_221] : memref<4x16x768xf32, #tpu.memory_space<vmem>> -> memref<1x16x768xf32, #tpu.memory_space<vmem>>
    %dma_wait3A_223 = tpu.memref_squeeze %dma_wait3A_222 : memref<1x16x768xf32, #tpu.memory_space<vmem>> -> memref<16x768xf32, #tpu.memory_space<vmem>>
    tpu.wait_dma2 semaphore(%dma_wait3A_216 : memref<!tpu.dma_semaphore, #tpu.memory_space<semaphore_mem>>) src(%dma_wait3A_223 : memref<16x768xf32, #tpu.memory_space<vmem>>) dst(%dma_wait3A_219 : memref<16x768xf32, #tpu.memory_space<hbm>>)
    %dma_wait3A_224 = arith.constant 1 : i32
    %dma_wait3A_225 = arith.constant 1 : i32
    %dma_wait3A_226 = arith.constant 0 : i32
    %dma_wait3A_227 = arith.constant 0 : i32
    %dma_wait3A_228 = tpu.memref_slice %arg9[%dma_wait3A_224, %dma_wait3A_226, %dma_wait3A_227] : memref<4x16x768xf32, #tpu.memory_space<vmem>> -> memref<1x16x768xf32, #tpu.memory_space<vmem>>
    %dma_wait3A_229 = tpu.memref_squeeze %dma_wait3A_228 : memref<1x16x768xf32, #tpu.memory_space<vmem>> -> memref<16x768xf32, #tpu.memory_space<vmem>>
    %dma_wait3A_230 = arith.constant 0 : i32
    %dma_wait3A_231 = arith.constant 0 : i32
    %dma_wait3A_232 = tpu.memref_slice %arg6[%dma_wait3A_230, %dma_wait3A_231] : memref<8192x768xf32, #tpu.memory_space<hbm>> -> memref<16x768xf32, #tpu.memory_space<hbm>>
    %dma_wait3A_233 = tpu.memref_slice %arg14[%dma_wait3A_225] : memref<4x!tpu.dma_semaphore, #tpu.memory_space<semaphore_mem>> -> memref<1x!tpu.dma_semaphore, #tpu.memory_space<semaphore_mem>>
    %dma_wait3A_234 = tpu.memref_squeeze %dma_wait3A_233 : memref<1x!tpu.dma_semaphore, #tpu.memory_space<semaphore_mem>> -> memref<!tpu.dma_semaphore, #tpu.memory_space<semaphore_mem>>
    %dma_wait3A_235 = arith.constant 0 : i32
    %dma_wait3A_236 = arith.constant 0 : i32
    %dma_wait3A_237 = tpu.memref_slice %arg6[%dma_wait3A_235, %dma_wait3A_236] : memref<8192x768xf32, #tpu.memory_space<hbm>> -> memref<16x768xf32, #tpu.memory_space<hbm>>
    %dma_wait3A_238 = arith.constant 0 : i32
    %dma_wait3A_239 = arith.constant 0 : i32
    %dma_wait3A_240 = tpu.memref_slice %arg9[%dma_wait3A_224, %dma_wait3A_238, %dma_wait3A_239] : memref<4x16x768xf32, #tpu.memory_space<vmem>> -> memref<1x16x768xf32, #tpu.memory_space<vmem>>
    %dma_wait3A_241 = tpu.memref_squeeze %dma_wait3A_240 : memref<1x16x768xf32, #tpu.memory_space<vmem>> -> memref<16x768xf32, #tpu.memory_space<vmem>>
    tpu.wait_dma2 semaphore(%dma_wait3A_234 : memref<!tpu.dma_semaphore, #tpu.memory_space<semaphore_mem>>) src(%dma_wait3A_241 : memref<16x768xf32, #tpu.memory_space<vmem>>) dst(%dma_wait3A_237 : memref<16x768xf32, #tpu.memory_space<hbm>>)
    %dma_wait3A_242 = arith.constant 1 : i32
    %dma_wait3A_243 = arith.constant 1 : i32
    %dma_wait3A_244 = arith.constant 0 : i32
    %dma_wait3A_245 = arith.constant 0 : i32
    %dma_wait3A_246 = tpu.memref_slice %arg10[%dma_wait3A_242, %dma_wait3A_244, %dma_wait3A_245] : memref<4x16x768xf32, #tpu.memory_space<vmem>> -> memref<1x16x768xf32, #tpu.memory_space<vmem>>
    %dma_wait3A_247 = tpu.memref_squeeze %dma_wait3A_246 : memref<1x16x768xf32, #tpu.memory_space<vmem>> -> memref<16x768xf32, #tpu.memory_space<vmem>>
    %dma_wait3A_248 = arith.constant 0 : i32
    %dma_wait3A_249 = arith.constant 0 : i32
    %dma_wait3A_250 = tpu.memref_slice %arg5[%dma_wait3A_248, %dma_wait3A_249] : memref<8192x768xf32, #tpu.memory_space<hbm>> -> memref<16x768xf32, #tpu.memory_space<hbm>>
    %dma_wait3A_251 = tpu.memref_slice %arg16[%dma_wait3A_243] : memref<4x!tpu.dma_semaphore, #tpu.memory_space<semaphore_mem>> -> memref<1x!tpu.dma_semaphore, #tpu.memory_space<semaphore_mem>>
    %dma_wait3A_252 = tpu.memref_squeeze %dma_wait3A_251 : memref<1x!tpu.dma_semaphore, #tpu.memory_space<semaphore_mem>> -> memref<!tpu.dma_semaphore, #tpu.memory_space<semaphore_mem>>
    %dma_wait3A_253 = arith.constant 0 : i32
    %dma_wait3A_254 = arith.constant 0 : i32
    %dma_wait3A_255 = tpu.memref_slice %arg5[%dma_wait3A_253, %dma_wait3A_254] : memref<8192x768xf32, #tpu.memory_space<hbm>> -> memref<16x768xf32, #tpu.memory_space<hbm>>
    %dma_wait3A_256 = arith.constant 0 : i32
    %dma_wait3A_257 = arith.constant 0 : i32
    %dma_wait3A_258 = tpu.memref_slice %arg10[%dma_wait3A_242, %dma_wait3A_256, %dma_wait3A_257] : memref<4x16x768xf32, #tpu.memory_space<vmem>> -> memref<1x16x768xf32, #tpu.memory_space<vmem>>
    %dma_wait3A_259 = tpu.memref_squeeze %dma_wait3A_258 : memref<1x16x768xf32, #tpu.memory_space<vmem>> -> memref<16x768xf32, #tpu.memory_space<vmem>>
    tpu.wait_dma2 semaphore(%dma_wait3A_252 : memref<!tpu.dma_semaphore, #tpu.memory_space<semaphore_mem>>) src(%dma_wait3A_259 : memref<16x768xf32, #tpu.memory_space<vmem>>) dst(%dma_wait3A_255 : memref<16x768xf32, #tpu.memory_space<hbm>>)
    %dma_wait3A_260 = arith.constant 2 : i32
    %dma_wait3A_261 = arith.constant 2 : i32
    %dma_wait3A_262 = arith.constant 0 : i32
    %dma_wait3A_263 = arith.constant 0 : i32
    %dma_wait3A_264 = tpu.memref_slice %arg9[%dma_wait3A_260, %dma_wait3A_262, %dma_wait3A_263] : memref<4x16x768xf32, #tpu.memory_space<vmem>> -> memref<1x16x768xf32, #tpu.memory_space<vmem>>
    %dma_wait3A_265 = tpu.memref_squeeze %dma_wait3A_264 : memref<1x16x768xf32, #tpu.memory_space<vmem>> -> memref<16x768xf32, #tpu.memory_space<vmem>>
    %dma_wait3A_266 = arith.constant 0 : i32
    %dma_wait3A_267 = arith.constant 0 : i32
    %dma_wait3A_268 = tpu.memref_slice %arg6[%dma_wait3A_266, %dma_wait3A_267] : memref<8192x768xf32, #tpu.memory_space<hbm>> -> memref<16x768xf32, #tpu.memory_space<hbm>>
    %dma_wait3A_269 = tpu.memref_slice %arg14[%dma_wait3A_261] : memref<4x!tpu.dma_semaphore, #tpu.memory_space<semaphore_mem>> -> memref<1x!tpu.dma_semaphore, #tpu.memory_space<semaphore_mem>>
    %dma_wait3A_270 = tpu.memref_squeeze %dma_wait3A_269 : memref<1x!tpu.dma_semaphore, #tpu.memory_space<semaphore_mem>> -> memref<!tpu.dma_semaphore, #tpu.memory_space<semaphore_mem>>
    %dma_wait3A_271 = arith.constant 0 : i32
    %dma_wait3A_272 = arith.constant 0 : i32
    %dma_wait3A_273 = tpu.memref_slice %arg6[%dma_wait3A_271, %dma_wait3A_272] : memref<8192x768xf32, #tpu.memory_space<hbm>> -> memref<16x768xf32, #tpu.memory_space<hbm>>
    %dma_wait3A_274 = arith.constant 0 : i32
    %dma_wait3A_275 = arith.constant 0 : i32
    %dma_wait3A_276 = tpu.memref_slice %arg9[%dma_wait3A_260, %dma_wait3A_274, %dma_wait3A_275] : memref<4x16x768xf32, #tpu.memory_space<vmem>> -> memref<1x16x768xf32, #tpu.memory_space<vmem>>
    %dma_wait3A_277 = tpu.memref_squeeze %dma_wait3A_276 : memref<1x16x768xf32, #tpu.memory_space<vmem>> -> memref<16x768xf32, #tpu.memory_space<vmem>>
    tpu.wait_dma2 semaphore(%dma_wait3A_270 : memref<!tpu.dma_semaphore, #tpu.memory_space<semaphore_mem>>) src(%dma_wait3A_277 : memref<16x768xf32, #tpu.memory_space<vmem>>) dst(%dma_wait3A_273 : memref<16x768xf32, #tpu.memory_space<hbm>>)
    %dma_wait3A_278 = arith.constant 2 : i32
    %dma_wait3A_279 = arith.constant 2 : i32
    %dma_wait3A_280 = arith.constant 0 : i32
    %dma_wait3A_281 = arith.constant 0 : i32
    %dma_wait3A_282 = tpu.memref_slice %arg10[%dma_wait3A_278, %dma_wait3A_280, %dma_wait3A_281] : memref<4x16x768xf32, #tpu.memory_space<vmem>> -> memref<1x16x768xf32, #tpu.memory_space<vmem>>
    %dma_wait3A_283 = tpu.memref_squeeze %dma_wait3A_282 : memref<1x16x768xf32, #tpu.memory_space<vmem>> -> memref<16x768xf32, #tpu.memory_space<vmem>>
    %dma_wait3A_284 = arith.constant 0 : i32
    %dma_wait3A_285 = arith.constant 0 : i32
    %dma_wait3A_286 = tpu.memref_slice %arg5[%dma_wait3A_284, %dma_wait3A_285] : memref<8192x768xf32, #tpu.memory_space<hbm>> -> memref<16x768xf32, #tpu.memory_space<hbm>>
    %dma_wait3A_287 = tpu.memref_slice %arg16[%dma_wait3A_279] : memref<4x!tpu.dma_semaphore, #tpu.memory_space<semaphore_mem>> -> memref<1x!tpu.dma_semaphore, #tpu.memory_space<semaphore_mem>>
    %dma_wait3A_288 = tpu.memref_squeeze %dma_wait3A_287 : memref<1x!tpu.dma_semaphore, #tpu.memory_space<semaphore_mem>> -> memref<!tpu.dma_semaphore, #tpu.memory_space<semaphore_mem>>
    %dma_wait3A_289 = arith.constant 0 : i32
    %dma_wait3A_290 = arith.constant 0 : i32
    %dma_wait3A_291 = tpu.memref_slice %arg5[%dma_wait3A_289, %dma_wait3A_290] : memref<8192x768xf32, #tpu.memory_space<hbm>> -> memref<16x768xf32, #tpu.memory_space<hbm>>
    %dma_wait3A_292 = arith.constant 0 : i32
    %dma_wait3A_293 = arith.constant 0 : i32
    %dma_wait3A_294 = tpu.memref_slice %arg10[%dma_wait3A_278, %dma_wait3A_292, %dma_wait3A_293] : memref<4x16x768xf32, #tpu.memory_space<vmem>> -> memref<1x16x768xf32, #tpu.memory_space<vmem>>
    %dma_wait3A_295 = tpu.memref_squeeze %dma_wait3A_294 : memref<1x16x768xf32, #tpu.memory_space<vmem>> -> memref<16x768xf32, #tpu.memory_space<vmem>>
    tpu.wait_dma2 semaphore(%dma_wait3A_288 : memref<!tpu.dma_semaphore, #tpu.memory_space<semaphore_mem>>) src(%dma_wait3A_295 : memref<16x768xf32, #tpu.memory_space<vmem>>) dst(%dma_wait3A_291 : memref<16x768xf32, #tpu.memory_space<hbm>>)
    %dma_wait3A_296 = arith.constant 3 : i32
    %dma_wait3A_297 = arith.constant 3 : i32
    %dma_wait3A_298 = arith.constant 0 : i32
    %dma_wait3A_299 = arith.constant 0 : i32
    %dma_wait3A_300 = tpu.memref_slice %arg9[%dma_wait3A_296, %dma_wait3A_298, %dma_wait3A_299] : memref<4x16x768xf32, #tpu.memory_space<vmem>> -> memref<1x16x768xf32, #tpu.memory_space<vmem>>
    %dma_wait3A_301 = tpu.memref_squeeze %dma_wait3A_300 : memref<1x16x768xf32, #tpu.memory_space<vmem>> -> memref<16x768xf32, #tpu.memory_space<vmem>>
    %dma_wait3A_302 = arith.constant 0 : i32
    %dma_wait3A_303 = arith.constant 0 : i32
    %dma_wait3A_304 = tpu.memref_slice %arg6[%dma_wait3A_302, %dma_wait3A_303] : memref<8192x768xf32, #tpu.memory_space<hbm>> -> memref<16x768xf32, #tpu.memory_space<hbm>>
    %dma_wait3A_305 = tpu.memref_slice %arg14[%dma_wait3A_297] : memref<4x!tpu.dma_semaphore, #tpu.memory_space<semaphore_mem>> -> memref<1x!tpu.dma_semaphore, #tpu.memory_space<semaphore_mem>>
    %dma_wait3A_306 = tpu.memref_squeeze %dma_wait3A_305 : memref<1x!tpu.dma_semaphore, #tpu.memory_space<semaphore_mem>> -> memref<!tpu.dma_semaphore, #tpu.memory_space<semaphore_mem>>
    %dma_wait3A_307 = arith.constant 0 : i32
    %dma_wait3A_308 = arith.constant 0 : i32
    %dma_wait3A_309 = tpu.memref_slice %arg6[%dma_wait3A_307, %dma_wait3A_308] : memref<8192x768xf32, #tpu.memory_space<hbm>> -> memref<16x768xf32, #tpu.memory_space<hbm>>
    %dma_wait3A_310 = arith.constant 0 : i32
    %dma_wait3A_311 = arith.constant 0 : i32
    %dma_wait3A_312 = tpu.memref_slice %arg9[%dma_wait3A_296, %dma_wait3A_310, %dma_wait3A_311] : memref<4x16x768xf32, #tpu.memory_space<vmem>> -> memref<1x16x768xf32, #tpu.memory_space<vmem>>
    %dma_wait3A_313 = tpu.memref_squeeze %dma_wait3A_312 : memref<1x16x768xf32, #tpu.memory_space<vmem>> -> memref<16x768xf32, #tpu.memory_space<vmem>>
    tpu.wait_dma2 semaphore(%dma_wait3A_306 : memref<!tpu.dma_semaphore, #tpu.memory_space<semaphore_mem>>) src(%dma_wait3A_313 : memref<16x768xf32, #tpu.memory_space<vmem>>) dst(%dma_wait3A_309 : memref<16x768xf32, #tpu.memory_space<hbm>>)
    %dma_wait3A_314 = arith.constant 3 : i32
    %dma_wait3A_315 = arith.constant 3 : i32
    %dma_wait3A_316 = arith.constant 0 : i32
    %dma_wait3A_317 = arith.constant 0 : i32
    %dma_wait3A_318 = tpu.memref_slice %arg10[%dma_wait3A_314, %dma_wait3A_316, %dma_wait3A_317] : memref<4x16x768xf32, #tpu.memory_space<vmem>> -> memref<1x16x768xf32, #tpu.memory_space<vmem>>
    %dma_wait3A_319 = tpu.memref_squeeze %dma_wait3A_318 : memref<1x16x768xf32, #tpu.memory_space<vmem>> -> memref<16x768xf32, #tpu.memory_space<vmem>>
    %dma_wait3A_320 = arith.constant 0 : i32
    %dma_wait3A_321 = arith.constant 0 : i32
    %dma_wait3A_322 = tpu.memref_slice %arg5[%dma_wait3A_320, %dma_wait3A_321] : memref<8192x768xf32, #tpu.memory_space<hbm>> -> memref<16x768xf32, #tpu.memory_space<hbm>>
    %dma_wait3A_323 = tpu.memref_slice %arg16[%dma_wait3A_315] : memref<4x!tpu.dma_semaphore, #tpu.memory_space<semaphore_mem>> -> memref<1x!tpu.dma_semaphore, #tpu.memory_space<semaphore_mem>>
    %dma_wait3A_324 = tpu.memref_squeeze %dma_wait3A_323 : memref<1x!tpu.dma_semaphore, #tpu.memory_space<semaphore_mem>> -> memref<!tpu.dma_semaphore, #tpu.memory_space<semaphore_mem>>
    %dma_wait3A_325 = arith.constant 0 : i32
    %dma_wait3A_326 = arith.constant 0 : i32
    %dma_wait3A_327 = tpu.memref_slice %arg5[%dma_wait3A_325, %dma_wait3A_326] : memref<8192x768xf32, #tpu.memory_space<hbm>> -> memref<16x768xf32, #tpu.memory_space<hbm>>
    %dma_wait3A_328 = arith.constant 0 : i32
    %dma_wait3A_329 = arith.constant 0 : i32
    %dma_wait3A_330 = tpu.memref_slice %arg10[%dma_wait3A_314, %dma_wait3A_328, %dma_wait3A_329] : memref<4x16x768xf32, #tpu.memory_space<vmem>> -> memref<1x16x768xf32, #tpu.memory_space<vmem>>
    %dma_wait3A_331 = tpu.memref_squeeze %dma_wait3A_330 : memref<1x16x768xf32, #tpu.memory_space<vmem>> -> memref<16x768xf32, #tpu.memory_space<vmem>>
    tpu.wait_dma2 semaphore(%dma_wait3A_324 : memref<!tpu.dma_semaphore, #tpu.memory_space<semaphore_mem>>) src(%dma_wait3A_331 : memref<16x768xf32, #tpu.memory_space<vmem>>) dst(%dma_wait3A_327 : memref<16x768xf32, #tpu.memory_space<hbm>>)
    return
  }
}

</mosaic_0001>

<sc_bundles>
// kernel: kernel.3.cloned.1.call-start
scs
__scs_entry_jumppad:
0x0: {  	(pc) =	sbr.rel $0x88, $3  }
0x1: {  	(tag) =	ssettag $0x0;
	lr =	simm.s32 $0x1  }
0x2: {  	[smem:$0x3F9E] =	sst lr;
	_ =	strace $0xD0000000  }
0x3: {  	_ = 	snop  }
0x4: {  	_ = 	snop  }
0x5: {  	_ = 	snop  }
0x6: {  	_ = 	snop  }
0x7: {  	_ = 	snop  }
__scs_overlays_trampoline_lowered:
0x8: {  	[smem:$0x3FAD] =	sst s0  }
0x9: {  	[smem:$0x3FAE] =	sst s1  }
0xa: {  	[smem:$0x3FAF] =	sst s2  }
0xb: {  	[smem:$0x3FB0] =	sst s3  }
0xc: {  	[smem:$0x3FB1] =	sst s4  }
0xd: {  	[smem:$0x3FB2] =	sst s5  }
0xe: {  	[smem:$0x3FB3] =	sst s6  }
0xf: {  	[smem:$0x3FB4] =	sst s7  }
0x10: {  	[smem:$0x3FB5] =	sst s8  }
0x11: {  	[smem:$0x3FB6] =	sst s9;
	s0 =	simm.s32 @!p0 $0x0  }
0x12: {  	s1 =	sld [smem:$0x3F9C];
	s0 =	simm.s32 @p0 $0x1  }
0x13: {  	[smem:$0x3FB7] =	sst s0;
	s0 =	simm.s32 @!p1 $0x0  }
0x14: {  	s2 =	sld [smem:$0x3F9B];
	s0 =	simm.s32 @p1 $0x1  }
0x15: {  	[smem:$0x3FB8] =	sst s0;
	s0 =	simm.s32 @!p2 $0x0  }
0x16: {  	s3 =	sld [smem:$0x3FDB];
	s0 =	simm.s32 @p2 $0x1  }
0x17: {  	s4 =	simm.s32 $0x1BF5;
	[smem:$0x3FBA] =	sst s0  }
0x18: {  	s0 =	sld [smem:$0x3F9D];
	_ =	swait.ge [sflag:s4], $0x0  }
0x19: {  	s7 =	sld [smem:$0x3F9E]  }
0x1a: {  	s8 =	sadd.s32 $0xFFFFE003, lr  }
0x1b: {  	s9 =	sadd.s32 $0xFFFFFEF7, lr;
	s5 =	simm.s32 $0xFFFFFFFF;
	p2 =	slt.u32 s8, $0xFFFFF086  }
0x1c: {  	p1 =	slt.u32 s9, $0xF7A;
	s5 =	simm.s32 @!p2 $0x0  }
0x1d: {  	s5 =	simm.s32 @p1 $0x1;
	p0 =	seq.s32 s7, s2  }
0x1e: {  	s7 =	smul.u32 @!p0 $0xF7A, s2;
	p2 =	seq.s32 @!p0 s5, $0x0  }
0x1f: {  	s9 =	smul.u32 $0xF7A, s1;
	s8 =	simm.s32 @!p0 $0x1BF5;
	p2 =	por !p2, p0  }
0x20: {  	[sflag:s8] =	ssyncset.s32 @!p0 $0xFFFFF086;
	s6 =	sadd.s32 @!p0 s3, s7;
	s7 =	simm.s32 @!p0 $0x108  }
0x21: {  	s3 =	sadd.s32 s3, s9;
	s6 =	sadd.s32 @!p0 $0x88, s6;
	s7 =	simm.s32 @p2 $0x1082  }
0x22: {  	[simem:s7], [sflag:s8] =	dma.local @!p0 [hbm:s6], $0xF7A  }
0x23: {  	s9 =	sor.u32 $0xD0000000, s2;
	s6 =	simm.s32 $0x108;
	_ =	swait.ge @!p0 [sflag:s8], $0x0  }
0x24: {  	s3 =	sadd.s32 $0x88, s3;
	s6 =	simm.s32 @!p1 $0x1082;
	[sflag:s4] =	ssyncset.s32 $0xFFFFF086  }
0x25: {  	[simem:s6], [sflag:s4] =	dma.local [hbm:s3], $0xF7A  }
0x26: {  	[smem:$0x3F9E] =	sst s1;
	(tag) =	ssettag s2;
	_ =	strace s9  }
0x27: {  	s1 =	sld [smem:$0x3FAE]  }
0x28: {  	s2 =	sld [smem:$0x3FAF]  }
0x29: {  	s4 =	sld [smem:$0x3FB1]  }
0x2a: {  	p0 =	seq.s32 s5, $0x0;
	s5 =	sld [smem:$0x3FB2]  }
0x2b: {  	s6 =	sld [smem:$0x3FB3]  }
0x2c: {  	s7 =	sld [smem:$0x3FB4]  }
0x2d: {  	s3 =	simm.s32 $0x108;
	s8 =	sld [smem:$0x3FB5]  }
0x2e: {  	s3 =	simm.s32 @!p0 $0x1082;
	s9 =	sld [smem:$0x3FB6]  }
0x2f: {  	lr =	sadd.s32 s0, s3;
	s0 =	sld [smem:$0x3FAD]  }
0x30: {  	s3 =	sld [smem:$0x3FB0]  }
0x31: {  	[smem:$0x3FB9] =	sst s10  }
0x32: {  	s10 =	sld [smem:$0x3FB7];
	_ =	sdelay $0x3  }
0x33: {  	p0 =	seq.s32 s10, $0x1;
	s10 =	sld [smem:$0x3FB9];
	_ =	sdelay $0x3  }
0x34: {  	[smem:$0x3FB9] =	sst s10  }
0x35: {  	s10 =	sld [smem:$0x3FB8];
	_ =	sdelay $0x3  }
0x36: {  	p1 =	seq.s32 s10, $0x1;
	s10 =	sld [smem:$0x3FB9];
	_ =	sdelay $0x3  }
0x37: {  	[smem:$0x3FB9] =	sst s10  }
0x38: {  	s10 =	sld [smem:$0x3FBA]  }
0x39: {  	_ = 	snop;
	(pc) =	sbr.ind lr, $3  }
0x3a: {  	_ = 	snop  }
0x3b: {  	_ = 	snop  }
0x3c: {  	p2 =	seq.s32 s10, $0x1;
	s10 =	sld [smem:$0x3FB9]  }
0x3d: {  	_ =	shalt  }
0x3e: {  	_ =	shalt  }
0x3f: {  	_ =	shalt  }
0x40: {  	_ =	shalt  }
0x41: {  	_ =	shalt  }
0x42: {  	_ =	shalt  }
0x43: {  	_ =	shalt  }
0x44: {  	_ =	shalt  }
0x45: {  	_ =	shalt  }
0x46: {  	_ =	shalt  }
0x47: {  	_ =	shalt  }
0x48: {  	_ =	shalt  }
0x49: {  	_ =	shalt  }
0x4a: {  	_ =	shalt  }
0x4b: {  	_ =	shalt  }
0x4c: {  	_ =	shalt  }
0x4d: {  	_ =	shalt  }
0x4e: {  	_ =	shalt  }
0x4f: {  	_ =	shalt  }
0x50: {  	_ =	shalt  }
0x51: {  	_ =	shalt  }
0x52: {  	_ =	shalt  }
0x53: {  	_ =	shalt  }
0x54: {  	_ =	shalt  }
0x55: {  	_ =	shalt  }
0x56: {  	_ =	shalt  }
0x57: {  	_ =	shalt  }
0x58: {  	_ =	shalt  }
0x59: {  	_ =	shalt  }
0x5a: {  	_ =	shalt  }
0x5b: {  	_ =	shalt  }
0x5c: {  	_ =	shalt  }
0x5d: {  	_ =	shalt  }
0x5e: {  	_ =	shalt  }
0x5f: {  	_ =	shalt  }
0x60: {  	_ =	shalt  }
0x61: {  	_ =	shalt  }
0x62: {  	_ =	shalt  }
0x63: {  	_ =	shalt  }
0x64: {  	_ =	shalt  }
0x65: {  	_ =	shalt  }
0x66: {  	_ =	shalt  }
0x67: {  	_ =	shalt  }
0x68: {  	_ =	shalt  }
0x69: {  	_ =	shalt  }
0x6a: {  	_ =	shalt  }
0x6b: {  	_ =	shalt  }
0x6c: {  	_ =	shalt  }
0x6d: {  	_ =	shalt  }
0x6e: {  	_ =	shalt  }
0x6f: {  	_ =	shalt  }
0x70: {  	_ =	shalt  }
0x71: {  	_ =	shalt  }
0x72: {  	_ =	shalt  }
0x73: {  	_ =	shalt  }
0x74: {  	_ =	shalt  }
0x75: {  	_ =	shalt  }
0x76: {  	_ =	shalt  }
0x77: {  	_ =	shalt  }
0x78: {  	_ =	shalt  }
0x79: {  	_ =	shalt  }
0x7a: {  	_ =	shalt  }
0x7b: {  	_ =	shalt  }
0x7c: {  	_ =	shalt  }
0x7d: {  	_ =	shalt  }
0x7e: {  	_ =	shalt  }
0x7f: {  	_ =	shalt  }
0x80: {  	_ =	shalt  }
0x81: {  	_ =	shalt  }
0x82: {  	_ =	shalt  }
0x83: {  	_ =	shalt  }
0x84: {  	_ =	shalt  }
0x85: {  	_ =	shalt  }
0x86: {  	_ =	shalt  }
0x87: {  	_ =	shalt  }
.Lfunc_end0:
.L_simem_size_0:
called_computation_lowered:
.L_overlay_start_0:
0x88: {  	s2 =	sld [smem:$0x3FD9]  }
0x89: {  	s3 =	sld [smem:$0x3FFE];
	_ =	sdelay $0x1  }
0x8a: {  	s1 =	srdreg.scid  }
0x8b: {  	s0 =	sand.u32 $0x1, s1  }
0x8c: {  	s15 =	sshll.u32 s0, $0xA;
	s2 =	sadd.s32 s3, s2  }
0x8d: {  	s2 =	sadd.s32 s2, s15  }
0x8e: {  	[smem:$0x3FC5] =	sst s2  }
0x8f: {  	_ = 	snop  }
0x90: {  	s2 =	sld [smem:$0x3FD0]  }
0x91: {  	s16 =	sld [smem:$0x3FC9]  }
0x92: {  	s4 =	sld [smem:$0x3FC8]  }
0x93: {  	s6 =	simm.s32 $0xA;
	s7 =	simm.s32 $0x10;
	s5 =	sld [smem:$0x3FC7]  }
0x94: {  	[smem:s7], [sflag:s6] =	dma.local [hbm:s2], $0x1  }
0x95: {  	_ =	swait.eq [sflag:s6], $0x1  }
0x96: {  	[sflag:s6] =	ssyncset.done $0x0  }
0x97: {  	s17 =	sld [smem:$0x10];
	[sflag:s6] =	ssyncadd.s32 $0xFFFFFFFF  }
0x98: {  	s18 =	sld [smem:$0x11];
	(tm) =	ssettm $0x1  }
0x99: {  	s19 =	sld [smem:$0x3FFB];
	_ =	sdelay $0x3  }
0x9a: {  	_ =	strace s19  }
0x9b: {  	s7 =	sld [smem:$0x3FFC];
	_ =	sdelay $0x3  }
0x9c: {  	_ =	strace s7  }
0x9d: {  	s7 =	sld [smem:$0x3FFD];
	_ =	sdelay $0x3  }
0x9e: {  	_ =	strace s7  }
0x9f: {  	_ =	strace $0x8FFFFFFF  }
0xa0: {  	s20 =	sld [smem:$0x3FDB];
	_ =	sdelay $0x1  }
0xa1: {  	s8 =	simm.s32 $_scs_section_size  }
0xa2: {  	s9 =	simm.s32 $_size__tile_overlayer_lowered;
	s10 =	simm.s32 $_tile_overlayer_lowered  }
0xa3: {  	s23 =	simm.s32 $0x1BFF;
	s22 =	sshll.u32 s10, $0x1;
	s7 =	sadd.s32 s8, s20  }
0xa4: {  	s11 =	simm.s32 $0x0;
	s21 =	sshll.u32 s9, $0x1;
	s9 =	sadd.s32 s22, s7  }
0xa5: {  	[timem:s11], [sflag:s23] =	dma.local [hbm:s9], s21  }
0xa6: {  	_ =	swait.ge [sflag:s23], s21  }
0xa7: {  	s8 =	ssub.s32 $0x0, s21;
	[sflag:s23] =	ssyncset.done $0x0  }
0xa8: {  	[sflag:s23] =	ssyncadd.s32 s8;
	_ =	sdelay $0x1  }
0xa9: {  	s24 =	simm.s32 $0x1B8B  }
0xaa: {  	_ =	swait.ge [sflag:s24], $0x1  }
0xab: {  	[sflag:s24] =	ssyncset.done $0x0  }
0xac: {  	s25 =	simm.s32 $0x1B8E;
	[sflag:s24] =	ssyncadd.s32 $0xFFFFFFFF  }
0xad: {  	s26 =	simm.s32 $execute0_lowered;
	[smem:$0x3FD2] =	sst s25  }
0xae: {  	s8 =	sshll.u32 s26, $0x1;
	_ =	strace $0x80000046;
	[dreg:$0x1] =	wrdreg $0xFFFFFFFF  }
0xaf: {  	s28 =	simm.s32 $_size_execute0_lowered;
	s7 =	sadd.s32 s7, s8;
	[dreg:$0x0] =	wrdreg $0x0  }
0xb0: {  	s8 =	sshll.u32 s28, $0x1;
	[dreg:$0x2] =	wrdreg s7  }
0xb1: {  	[dreg:$0x3] =	wrdreg s8  }
0xb2: {  	[dreg:$0x4] =	wrdreg $0xC0  }
0xb3: {  	_ =	task [dreg:s11], $0x5FFFF  }
0xb4: {  	[dreg:$0x1] =	wrdreg $0xFFFFFFFF  }
0xb5: {  	[dreg:$0x0] =	wrdreg $0x60  }
0xb6: {  	[dreg:$0x2] =	wrdreg s16  }
0xb7: {  	[dreg:$0x3] =	wrdreg s4  }
0xb8: {  	[dreg:$0x4] =	wrdreg s5  }
0xb9: {  	[dreg:$0x5] =	wrdreg s17  }
0xba: {  	[dreg:$0x6] =	wrdreg s18  }
0xbb: {  	[dreg:$0x7] =	wrdreg $0x2000  }
0xbc: {  	[dreg:$0x8] =	wrdreg $0x9  }
0xbd: {  	_ =	task.clear_ibuf [dreg:s11], $0x9FFFF;
	_ =	strace $0x90000046  }
0xbe: {  	s29 =	simm.s32 $0x9;
	_ =	strace $0x80000048  }
0xbf: {  	_ =	swait.ge [sflag:s29], $0x1  }
0xc0: {  	[sflag:s29] =	ssyncadd.s32 $0xFFFFFFFF  }
0xc1: {  	_ =	strace $0x90000048  }
0xc2: {  	_ =	sfence  }
0xc3: {  	s30 =	sld [smem:$0x0];
	_ =	sdelay $0x2  }
0xc4: {  	s31 =	sshll.u32 s1, $0xD;
	s1 =	sshrl.u32 s1, $0x2  }
0xc5: {  	s3 =	sand.u32 $0x4000, s31;
	s1 =	sadd.s32 s1, s30  }
0xc6: {  	s0 =	sor.u32 s3, s0;
	s1 =	sshll.u32 s1, $0x11  }
0xc7: {  	s0 =	sor.u32 s1, s0  }
0xc8: {  	s0 =	sadd.s32 $0x8F2B, s0  }
0xc9: {  	[sflag:s0] =	ssyncadd.remote.s32 $0x1  }
0xca: {  	_ =	sfence.sel $0xFFFF  }
0xcb: {  	[dreg:$0x0] =	wrdreg $0xFFFFFFFF;
	(pc) =	sbr.abs _section_cstart, $3  }
0xcc: {  	[dreg:$0x1] =	wrdreg $0xFFFFFFFF  }
0xcd: {  	_ =	task.clear_ibuf [dreg:s11], $0x2FFFF;
	_ =	strace $0x9FFFFFFF  }
0xce: {  	(tm) =	ssettm $0x7FFFFFFF  }
0xcf: {  	_ =	shalt  }
tec
execute0_lowered:
.L_overlay_start_1:
0x0: {  	(tag) =	ssettag $0x1  }
0x1: {  	s0 =	rddreg [dreg:$0x0]  }
0x2: {  	s1 =	rddreg [dreg:$0x1]  }
0x3: {  	s2 =	rddreg [dreg:$0x2]  }
0x4: {  	s3 =	rddreg [dreg:$0x3]  }
0x5: {  	s5 =	rddreg [dreg:$0x4]  }
0x6: {  	s4 =	rddreg [dreg:$0x5];
	s6 =	srdreg.scid  }
0x7: {  	s13 =	stileid.u32;
	s30 =	simm.s32 $0x2;
	s28 =	simm.s32 $0x12  }
0x8: {  	s29 =	simm.s32 $0xB;
	s31 =	simm.s32 $0x13;
	s8 =	sand.u32 $0x1, s6  }
0x9: {  	s6 =	simm.s32 $0x0;
	s7 =	sshll.u32 s13, $0x7;
	s10 =	smul.u32 $0x18000, s13  }
0xa: {  	s22 =	sshll.u32 s13, $0x6;
	s15 =	sadd.s32 $0x100, s1;
	s16 =	sadd.s32 $0x200, s1  }
0xb: {  	s9 =	sshll.u32 s8, $0x6;
	[smem:$0x7FF] =	sst s6;
	s8 =	ssub.s32 $0x2, s8  }
0xc: {  	s7 =	sor.u32 s9, s7;
	_ =	strace $0x80000047;
	s12 =	sshrl.u32 s8, $0x1  }
0xd: {  	s18 =	sshrl.u32 s10, $0x2;
	s10 =	sor.u32 $0x1C05, s22;
	s22 =	simm.s32 $0x1  }
0xe: {  	s11 =	sshrl.u32 s7, $0x3;
	s12 =	ssub.s32 s8, s12;
	s19 =	sshll.u32 s7, $0x2  }
0xf: {  	s8 =	sadd.s32 s18, s4;
	s11 =	smul.u32 $0x300, s11;
	s25 =	smax.u32 s12, $0x1  }
0x10: {  	s21 =	sand.u32 $0x1E00, s19;
	s26 =	sshrl.u32 s8, $0x3;
	[dreg:$0xc] =	wrdreg s25  }
0x11: {  	s4 =	sor.u32 s9, s21;
	s9 =	sor.u32 s9, s19;
	[dreg:$0xd] =	wrdreg s26  }
0x12: {  	s26 =	simm.s32 $0xA;
	s19 =	simm.s32 $0xD;
	s21 =	simm.s32 $0x0  }
0x13: {  	s20 =	sadd.s32 s2, s11;
	s4 =	sshrl.u32 s4, $0x3;
	s9 =	sshrl.u32 s9, $0x3  }
0x14: {  	[dreg:$0x7] =	wrdreg s20;
	s23 =	sadd.s32 s0, s4;
	s24 =	sor.u32 $0x20, s9  }
0x15: {  	s9 =	sor.u32 $0x30, s9;
	[dreg:$0x8] =	wrdreg s23;
	s11 =	sadd.s32 $0x10, s23  }
0x16: {  	v2 =	vlaneseq.u32;
	s20 =	simm.s32 $0x15;
	s4 =	sadd.s32 s0, s24;
	[dreg:$0x9] =	wrdreg s11  }
0x17: {  	vm0 =	vmmov $0xffff;
	v1 =	vshrl.u32 v2, $0x3;
	s0 =	sadd.s32 s0, s9;
	s23 =	simm.s32 $0x5;
	[dreg:$0xa] =	wrdreg s4  }
0x18: {  	v0 =	vand.u32 $0x7, v2;
	v2 =	vor.u32 $0x8, v2;
	v1 =	vmul.u32 $0x8, v1;
	[dreg:$0xb] =	wrdreg s0;
	s0 =	simm.s32 $0xC;
	s4 =	simm.s32 $0x14  }
.LBB2_1:
0x19: {  	s9 =	rddreg [dreg:$0x7]  }
0x1a: {  	s11 =	rddreg [dreg:$0xd]  }
0x1b: {  	[spmem:s11], [sflag:s10] =	dma.local [hbm:s9], $0x600  }
0x1c: {  	s9 =	rddreg [dreg:$0x8]  }
0x1d: {  	[tilespmem:s6], [sflag:$0x1] =	stream.linear.gather [hbm4b:s9+s6], $0x40, $0x38;
	[tilespmem:$0x1E200] =	vst v63  }
0x1e: {  	s18 =	simm.s32 $0x80;
	s17 =	rddreg [dreg:$0x9]  }
0x1f: {  	[tilespmem:s18], [sflag:$0x2] =	stream.linear.gather [hbm4b:s17+s6], $0x40, $0x38;
	[tilespmem:$0x1E200] =	vst v63  }
0x20: {  	s25 =	simm.s32 $0x100;
	s24 =	rddreg [dreg:$0xa]  }
0x21: {  	[tilespmem:s25], [sflag:$0x3] =	stream.linear.gather [hbm4b:s24+s6], $0x40, $0x38;
	[tilespmem:$0x1E200] =	vst v63  }
0x22: {  	s12 =	simm.s32 $0x180;
	s11 =	rddreg [dreg:$0xb]  }
0x23: {  	[tilespmem:s12], [sflag:$0x4] =	stream.linear.gather [hbm4b:s11+s6], $0x40, $0x38;
	[tilespmem:$0x1E200] =	vst v63  }
0x24: {  	_ =	swait.ge [sflag:s22], $0x40  }
0x25: {  	[sflag:s22] =	ssyncset.done $0x0  }
0x26: {  	[sflag:s22] =	ssyncadd.s32 $0xFFFFFFC0  }
0x27: {  	v3 =	vld [tilespmem:$0x0];
	_ =	sdelay $0x4  }
0x28: {  	v4 =	vshrl.u32 v3, $0x3  }
0x29: {  	v4 =	vmul.u32 $0x30, v4  }
0x2a: {  	v3 =	vand.u32 $0x7, v3  }
0x2b: {  	v3 =	vor.u32 v3, v4  }
0x2c: {  	v4 =	vperm.xlane v3, v0;
	_ =	sdelay $0x1  }
0x2d: {  	v4 =	vadd.s32 v1, v4;
	_ =	sdelay $0x3  }
0x2e: {  	s13 =	simm.s32 $0x6200;
	v3 =	vperm.xlane v3, v2  }
0x2f: {  	[tilespmem:s13], [sflag:$0x6] =	stream.indirect_vreg.gather [hbm4b:s1+s6], $0x80, v4, vm0, $0xb8;
	[tilespmem:$0x1E200] =	vst v63  }
0x30: {  	s14 =	simm.s32 $0x6A00;
	v3 =	vadd.s32 v1, v3  }
0x31: {  	[tilespmem:s14], [sflag:$0x6] =	stream.indirect_vreg.gather [hbm4b:s15+s6], $0x80, v4, vm0, $0xb8;
	[tilespmem:$0x1E200] =	vst v63  }
0x32: {  	s17 =	simm.s32 $0x7200  }
0x33: {  	[tilespmem:s17], [sflag:$0x6] =	stream.indirect_vreg.gather [hbm4b:s16+s6], $0x80, v4, vm0, $0xb8;
	[tilespmem:$0x1E200] =	vst v63  }
0x34: {  	s18 =	simm.s32 $0x7A00  }
0x35: {  	[tilespmem:s18], [sflag:$0x6] =	stream.indirect_vreg.gather [hbm4b:s1+s6], $0x80, v3, vm0, $0xb8;
	[tilespmem:$0x1E200] =	vst v63  }
0x36: {  	s24 =	simm.s32 $0x8200  }
0x37: {  	[tilespmem:s24], [sflag:$0x6] =	stream.indirect_vreg.gather [hbm4b:s15+s6], $0x80, v3, vm0, $0xb8;
	[tilespmem:$0x1E200] =	vst v63  }
0x38: {  	s25 =	simm.s32 $0x8A00  }
0x39: {  	[tilespmem:s25], [sflag:$0x6] =	stream.indirect_vreg.gather [hbm4b:s16+s6], $0x80, v3, vm0, $0xb8;
	[tilespmem:$0x1E200] =	vst v63  }
0x3a: {  	_ =	swait.ge [sflag:s30], $0x40  }
0x3b: {  	[sflag:s30] =	ssyncset.done $0x0  }
0x3c: {  	[sflag:s30] =	ssyncadd.s32 $0xFFFFFFC0  }
0x3d: {  	v3 =	vld [tilespmem:$0x80];
	_ =	sdelay $0x4  }
0x3e: {  	v63 =	vshrl.u32 v3, $0x3  }
0x3f: {  	v4 =	vmul.u32 $0x30, v63  }
0x40: {  	v3 =	vand.u32 $0x7, v3  }
0x41: {  	v3 =	vor.u32 v3, v4  }
0x42: {  	v4 =	vperm.xlane v3, v0;
	_ =	sdelay $0x1  }
0x43: {  	v4 =	vadd.s32 v1, v4;
	_ =	sdelay $0x3  }
0x44: {  	s11 =	simm.s32 $0x9200;
	v3 =	vperm.xlane v3, v2  }
0x45: {  	[tilespmem:s11], [sflag:$0x7] =	stream.indirect_vreg.gather [hbm4b:s1+s6], $0x80, v4, vm0, $0xb8;
	[tilespmem:$0x1E200] =	vst v63  }
0x46: {  	s12 =	simm.s32 $0x9A00;
	v3 =	vadd.s32 v1, v3  }
0x47: {  	[tilespmem:s12], [sflag:$0x7] =	stream.indirect_vreg.gather [hbm4b:s15+s6], $0x80, v4, vm0, $0xb8;
	[tilespmem:$0x1E200] =	vst v63  }
0x48: {  	s13 =	simm.s32 $0xA200  }
0x49: {  	[tilespmem:s13], [sflag:$0x7] =	stream.indirect_vreg.gather [hbm4b:s16+s6], $0x80, v4, vm0, $0xb8;
	[tilespmem:$0x1E200] =	vst v63  }
0x4a: {  	s14 =	simm.s32 $0xAA00  }
0x4b: {  	[tilespmem:s14], [sflag:$0x7] =	stream.indirect_vreg.gather [hbm4b:s1+s6], $0x80, v3, vm0, $0xb8;
	[tilespmem:$0x1E200] =	vst v63  }
0x4c: {  	s17 =	simm.s32 $0xB200  }
0x4d: {  	[tilespmem:s17], [sflag:$0x7] =	stream.indirect_vreg.gather [hbm4b:s15+s6], $0x80, v3, vm0, $0xb8;
	[tilespmem:$0x1E200] =	vst v63  }
0x4e: {  	s18 =	simm.s32 $0xBA00  }
0x4f: {  	[tilespmem:s18], [sflag:$0x7] =	stream.indirect_vreg.gather [hbm4b:s16+s6], $0x80, v3, vm0, $0xb8;
	[tilespmem:$0x1E200] =	vst v63  }
0x50: {  	_ =	swait.ge [sflag:s23], $0x600  }
0x51: {  	[sflag:s23] =	ssyncset.done $0x0  }
0x52: {  	s24 =	simm.s32 $0x12200;
	[sflag:s23] =	ssyncadd.s32 $0xFFFFFA00  }
0x53: {  	[tilespmem:s24], [sflag:$0xE] =	stream.linear.gather [spmem:s8], $0x3000, $0x38;
	[tilespmem:$0x1E200] =	vst v63  }
0x54: {  	s25 =	simm.s32 $0x15200;
	s24 =	simm.s32 $0x0  }
0x55: {  	[tilespmem:s25], [sflag:$0xF] =	stream.linear.gather [spmem:s8], $0x3000, $0x38;
	[tilespmem:$0x1E200] =	vst v63  }
.LBB2_2:
0x56: {  	p0 =	sgt.u32 s24, $0xD  }
.Ltmp0:
0x57: {  	_ = 	snop;
	(pc) =	sbr.rel @p0 .LBB2_4-.Ltmp0, $2  }
0x58: {  	_ =	sdelay $0x2  }
0x59: {  	s9 =	sshrl.u32 s24, $0x2;
	s25 =	sand.u32 $0x3, s24  }
0x5a: {  	s11 =	sadd.s32 $0x2, s24  }
0x5b: {  	p0 =	slt.u32 s24, $0x2;
	s12 =	sand.u32 $0x3, s11  }
0x5c: {  	s13 =	sadd.s32 @p0 $0x1, s12  }
0x5d: {  	_ =	swait.ge @p0 [sflag:s13], $0x40  }
0x5e: {  	[sflag:s13] =	ssyncset.done @p0 $0x0  }
0x5f: {  	[sflag:s13] =	ssyncadd.s32 @p0 $0xFFFFFFC0;
	s13 =	sadd.s32 @!p0 $0xA, s12  }
0x60: {  	_ =	swait.ge @!p0 [sflag:s13], $0x3000  }
0x61: {  	[sflag:s13] =	ssyncset.done @!p0 $0x0  }
0x62: {  	[sflag:s13] =	ssyncadd.s32 @!p0 $0xFFFFD000;
	s13 =	sadd.s32 @!p0 $0x12, s12  }
0x63: {  	_ =	swait.ge @!p0 [sflag:s13], $0x3000  }
0x64: {  	s11 =	sshrl.u32 @!p0 s11, $0x2;
	p1 =	sne.s32 s12, $0x0;
	[sflag:s13] =	ssyncset.done @!p0 $0x0  }
0x65: {  	s11 =	simm.s32 @p0 $0x0;
	[sflag:s13] =	ssyncadd.s32 @!p0 $0xFFFFD000;
	s13 =	simm.s32 @!p1 $0x5  }
0x66: {  	s14 =	sshll.u32 s11, $0x4;
	_ =	swait.ge @!p1 [sflag:s13], $0x600  }
0x67: {  	s17 =	sshll.u32 s12, $0x7;
	s14 =	sand.u32 $0x3FFFFFF0, s14;
	[sflag:s13] =	ssyncset.done @!p1 $0x0  }
0x68: {  	s17 =	sadd.s32 s14, s17;
	[sflag:s13] =	ssyncadd.s32 @!p1 $0xFFFFFA00  }
0x69: {  	v3 =	vld [tilespmem:s17+$0x0];
	_ =	sdelay $0x4  }
0x6a: {  	v4 =	vshrl.u32 v3, $0x3  }
0x6b: {  	v4 =	vmul.u32 $0x30, v4  }
0x6c: {  	v3 =	vand.u32 $0x7, v3  }
0x6d: {  	v3 =	vor.u32 v3, v4  }
0x6e: {  	v4 =	vperm.xlane v3, v0;
	_ =	sdelay $0x1  }
0x6f: {  	v4 =	vadd.s32 v1, v4;
	_ =	sdelay $0x1  }
0x70: {  	s13 =	smul.u32 $0x3000, s12;
	_ =	sdelay $0x1  }
0x71: {  	s17 =	sadd.s32 $0x6, s12;
	s18 =	sadd.s32 $0x6200, s13;
	v3 =	vperm.xlane v3, v2  }
0x72: {  	[tilespmem:s18], [sflag:s17] =	stream.indirect_vreg.gather [hbm4b:s1+s6], $0x80, v4, vm0, $0xb8;
	[tilespmem:$0x1E200] =	vst v63  }
0x73: {  	v3 =	vadd.s32 v1, v3;
	s18 =	sadd.s32 $0x6A00, s13  }
0x74: {  	[tilespmem:s18], [sflag:s17] =	stream.indirect_vreg.gather [hbm4b:s15+s6], $0x80, v4, vm0, $0xb8;
	[tilespmem:$0x1E200] =	vst v63  }
0x75: {  	s11 =	sand.u32 $0x1, s11;
	s18 =	sadd.s32 $0x7200, s13  }
0x76: {  	[tilespmem:s18], [sflag:s17] =	stream.indirect_vreg.gather [hbm4b:s16+s6], $0x80, v4, vm0, $0xb8;
	[tilespmem:$0x1E200] =	vst v63  }
0x77: {  	p0 =	seq.s32 s11, $0x1;
	s11 =	simm.s32 $0x3000;
	s18 =	sadd.s32 $0x7A00, s13  }
0x78: {  	[tilespmem:s18], [sflag:s17] =	stream.indirect_vreg.gather [hbm4b:s1+s6], $0x80, v3, vm0, $0xb8;
	[tilespmem:$0x1E200] =	vst v63  }
0x79: {  	s11 =	simm.s32 @!p0 $0x0;
	p1 =	sgt.u32 s24, $0xB;
	s18 =	sadd.s32 $0x8200, s13  }
0x7a: {  	[tilespmem:s18], [sflag:s17] =	stream.indirect_vreg.gather [hbm4b:s15+s6], $0x80, v3, vm0, $0xb8;
	[tilespmem:$0x1E200] =	vst v63  }
0x7b: {  	s11 =	sadd.s32 s11, s8;
	p2 =	sne.s32 @!p1 s25, $0x0;
	s18 =	sadd.s32 $0x8A00, s13  }
0x7c: {  	[tilespmem:s18], [sflag:s17] =	stream.indirect_vreg.gather [hbm4b:s16+s6], $0x80, v3, vm0, $0xb8;
	[tilespmem:$0x1E200] =	vst v63  }
0x7d: {  	s12 =	sadd.s32 $0xE, s12;
	p0 =	por p2, p1;
	s13 =	sadd.s32 $0x12200, s13  }
0x7e: {  	[tilespmem:s13], [sflag:s12] =	stream.linear.gather [spmem:s11], $0x3000, $0x38;
	[tilespmem:$0x1E200] =	vst v63  }
0x7f: {  	s11 =	sadd.s32 @!p0 $0x1, s9  }
0x80: {  	s12 =	sand.u32 @!p0 $0x1, s11  }
0x81: {  	s11 =	sshll.u32 @!p0 s11, $0x4;
	p3 =	seq.s32 @!p0 s12, $0x1  }
0x82: {  	s11 =	sadd.s32 @!p0 s7, s11;
	p2 =	por @!p1 !p3, p2  }
0x83: {  	s12 =	simm.s32 @!p0 $0x3000;
	s11 =	sshrl.u32 @!p0 s11, $0x3;
	p1 =	por !p2, p1  }
0x84: {  	s11 =	smul.u32 @!p0 $0x300, s11;
	s12 =	simm.s32 @!p1 $0x0  }
0x85: {  	s12 =	sadd.s32 @!p0 s12, s8  }
0x86: {  	s11 =	sadd.s32 @!p0 s2, s11;
	s12 =	sshrl.u32 @!p0 s12, $0x3  }
0x87: {  	[spmem:s12], [sflag:s10] =	dma.local @!p0 [hbm:s11], $0x600  }
.LBB2_4:
0x88: {  	s11 =	sshll.u32 s25, $0xB;
	s9 =	sshll.u32 s9, $0x4  }
0x89: {  	s9 =	sadd.s32 s9, s11  }
0x8a: {  	s12 =	sadd.s32 s7, s9  }
0x8b: {  	s17 =	sadd.s32 $0x6, s25;
	s9 =	smul.u32 $0x3000, s25;
	s12 =	sshrl.u32 s12, $0x3  }
0x8c: {  	_ =	swait.ge [sflag:s17], $0x3000;
	s12 =	smul.u32 $0x300, s12  }
0x8d: {  	s18 =	sadd.s32 $0xA, s25;
	s13 =	simm.s32 $0x0;
	[sflag:s17] =	ssyncset.done $0x0  }
0x8e: {  	[sflag:s17] =	ssyncadd.s32 $0xFFFFD000;
	s14 =	sadd.s32 $0x6200, s9;
	s17 =	sadd.s32 s5, s12  }
0x8f: {  	[hbm4b:s17+s13] =	stream.linear.scatter [tilespmem:s14], [sflag:s18], $0x3000, $0x38;
	[tilespmem:$0x1E200] =	vst v63  }
0x90: {  	s17 =	simm.s32 $0x0  }
0x91: {  	s18 =	sadd.s32 $0xE, s25;
	s11 =	smul.u32 $0x1800, s17  }
0x92: {  	_ =	swait.ge [sflag:s18], $0x3000  }
0x93: {  	s17 =	sand.u32 $0x380, s13;
	[sflag:s18] =	ssyncset.done $0x0;
	s11 =	sadd.s32 s9, s11  }
0x94: {  	[sflag:s18] =	ssyncadd.s32 $0xFFFFD000;
	s18 =	sor.u32 s17, s11  }
0x95: {  	v3 =	vld [tilespmem:s18+$0x6670]  }
0x96: {  	v4 =	vld [tilespmem:s18+$0x6640]  }
0x97: {  	v5 =	vld [tilespmem:s18+$0x6660]  }
0x98: {  	v6 =	vld [tilespmem:s18+$0x6650]  }
0x99: {  	v7 =	vld [tilespmem:s18+$0x6620]  }
0x9a: {  	v8 =	vld [tilespmem:s18+$0x6630]  }
0x9b: {  	v48 =	vld [tilespmem:s18+$0x6200]  }
0x9c: {  	v49 =	vld [tilespmem:s18+$0x6210]  }
0x9d: {  	v50 =	vld [tilespmem:s18+$0x6270]  }
0x9e: {  	v9 =	vld [tilespmem:s18+$0x6220]  }
0x9f: {  	[tilespmem:s18+$0x12670] =	vst.add.f32.msk $0xffff, v3  }
0xa0: {  	[tilespmem:s18+$0x12640] =	vst.add.f32.msk $0xffff, v4  }
0xa1: {  	v3 =	vld [tilespmem:s18+$0x6610]  }
0xa2: {  	[tilespmem:s18+$0x12660] =	vst.add.f32.msk $0xffff, v5  }
0xa3: {  	v4 =	vld [tilespmem:s18+$0x6600]  }
0xa4: {  	v5 =	vld [tilespmem:s18+$0x6250]  }
0xa5: {  	[tilespmem:s18+$0x12650] =	vst.add.f32.msk $0xffff, v6  }
0xa6: {  	[tilespmem:s18+$0x12630] =	vst.add.f32.msk $0xffff, v8  }
0xa7: {  	[tilespmem:s18+$0x12620] =	vst.add.f32.msk $0xffff, v7  }
0xa8: {  	[tilespmem:s18+$0x12210] =	vst.add.f32.msk $0xffff, v49  }
0xa9: {  	[tilespmem:s18+$0x12270] =	vst.add.f32.msk $0xffff, v50  }
0xaa: {  	[tilespmem:s18+$0x12610] =	vst.add.f32.msk $0xffff, v3  }
0xab: {  	v3 =	vld [tilespmem:s18+$0x6230]  }
0xac: {  	[tilespmem:s18+$0x12600] =	vst.add.f32.msk $0xffff, v4  }
0xad: {  	v4 =	vld [tilespmem:s18+$0x6260]  }
0xae: {  	[tilespmem:s18+$0x12250] =	vst.add.f32.msk $0xffff, v5  }
0xaf: {  	v5 =	vld [tilespmem:s18+$0x6240]  }
0xb0: {  	[tilespmem:s18+$0x12200] =	vst.add.f32.msk $0xffff, v48  }
0xb1: {  	[tilespmem:s18+$0x12220] =	vst.add.f32.msk $0xffff, v9  }
0xb2: {  	[tilespmem:s18+$0x12260] =	vst.add.f32.msk $0xffff, v4  }
0xb3: {  	[tilespmem:s18+$0x12230] =	vst.add.f32.msk $0xffff, v3  }
0xb4: {  	s17 =	sadd.s32 s17, s11;
	[tilespmem:s18+$0x12240] =	vst.add.f32.msk $0xffff, v5  }
0xb5: {  	v4 =	vld [tilespmem:s17+$0x6A00]  }
0xb6: {  	v3 =	vld [tilespmem:s17+$0x6A10]  }
0xb7: {  	v5 =	vld [tilespmem:s17+$0x6A20]  }
0xb8: {  	v6 =	vld [tilespmem:s17+$0x6A30]  }
0xb9: {  	v7 =	vld [tilespmem:s17+$0x6A40]  }
0xba: {  	v8 =	vld [tilespmem:s17+$0x6A50]  }
0xbb: {  	v9 =	vld [tilespmem:s17+$0x6A60]  }
0xbc: {  	v10 =	vld [tilespmem:s17+$0x6A70]  }
0xbd: {  	v11 =	vld [tilespmem:s17+$0x6E00]  }
0xbe: {  	v12 =	vld [tilespmem:s17+$0x6E10]  }
0xbf: {  	v13 =	vld [tilespmem:s17+$0x6E20]  }
0xc0: {  	v51 =	vld [tilespmem:s17+$0x6E30]  }
0xc1: {  	v14 =	vld [tilespmem:s17+$0x6E40]  }
0xc2: {  	v15 =	vld [tilespmem:s17+$0x6E50]  }
0xc3: {  	v16 =	vld [tilespmem:s17+$0x6E60]  }
0xc4: {  	v17 =	vld [tilespmem:s17+$0x6E70]  }
0xc5: {  	v18 =	vld [tilespmem:s17+$0x7200]  }
0xc6: {  	v52 =	vld [tilespmem:s17+$0x7210]  }
0xc7: {  	v53 =	vld [tilespmem:s17+$0x7220]  }
0xc8: {  	v54 =	vld [tilespmem:s17+$0x7230]  }
0xc9: {  	v55 =	vld [tilespmem:s17+$0x7240]  }
0xca: {  	v56 =	vld [tilespmem:s17+$0x7250]  }
0xcb: {  	v57 =	vld [tilespmem:s17+$0x7260]  }
0xcc: {  	v58 =	vld [tilespmem:s17+$0x7270]  }
0xcd: {  	v59 =	vld [tilespmem:s17+$0x7610]  }
0xce: {  	v60 =	vld [tilespmem:s17+$0x7620]  }
0xcf: {  	v61 =	vld [tilespmem:s17+$0x7630]  }
0xd0: {  	v62 =	vld [tilespmem:s17+$0x7650]  }
0xd1: {  	v63 =	vld [tilespmem:s17+$0x7670]  }
0xd2: {  	[tilespmem:s17+$0x12A60] =	vst.add.f32.msk $0xffff, v9  }
0xd3: {  	[tilespmem:s17+$0x12E40] =	vst.add.f32.msk $0xffff, v14  }
0xd4: {  	[tilespmem:s17+$0x12A70] =	vst.add.f32.msk $0xffff, v10  }
0xd5: {  	[tilespmem:s17+$0x12E50] =	vst.add.f32.msk $0xffff, v15  }
0xd6: {  	[tilespmem:s17+$0x12E60] =	vst.add.f32.msk $0xffff, v16  }
0xd7: {  	[tilespmem:s17+$0x13200] =	vst.add.f32.msk $0xffff, v18  }
0xd8: {  	[tilespmem:s17+$0x12E20] =	vst.add.f32.msk $0xffff, v13  }
0xd9: {  	[tilespmem:s17+$0x12A30] =	vst.add.f32.msk $0xffff, v6  }
0xda: {  	[tilespmem:s17+$0x12E00] =	vst.add.f32.msk $0xffff, v11  }
0xdb: {  	[tilespmem:s17+$0x12E10] =	vst.add.f32.msk $0xffff, v12  }
0xdc: {  	[tilespmem:s17+$0x13210] =	vst.add.f32.msk $0xffff, v52  }
0xdd: {  	[tilespmem:s17+$0x13220] =	vst.add.f32.msk $0xffff, v53  }
0xde: {  	[tilespmem:s17+$0x12A10] =	vst.add.f32.msk $0xffff, v3  }
0xdf: {  	[tilespmem:s17+$0x13230] =	vst.add.f32.msk $0xffff, v54  }
0xe0: {  	[tilespmem:s17+$0x12A40] =	vst.add.f32.msk $0xffff, v7  }
0xe1: {  	v3 =	vld [tilespmem:s17+$0x7600]  }
0xe2: {  	[tilespmem:s17+$0x12E30] =	vst.add.f32.msk $0xffff, v51  }
0xe3: {  	[tilespmem:s17+$0x12A50] =	vst.add.f32.msk $0xffff, v8  }
0xe4: {  	[tilespmem:s17+$0x12A20] =	vst.add.f32.msk $0xffff, v5  }
0xe5: {  	v5 =	vld [tilespmem:s17+$0x7640]  }
0xe6: {  	[tilespmem:s17+$0x13620] =	vst.add.f32.msk $0xffff, v60  }
0xe7: {  	[tilespmem:s17+$0x13260] =	vst.add.f32.msk $0xffff, v57  }
0xe8: {  	[tilespmem:s17+$0x13650] =	vst.add.f32.msk $0xffff, v62  }
0xe9: {  	[tilespmem:s17+$0x13630] =	vst.add.f32.msk $0xffff, v61  }
0xea: {  	[tilespmem:s17+$0x13610] =	vst.add.f32.msk $0xffff, v59  }
0xeb: {  	[tilespmem:s17+$0x13270] =	vst.add.f32.msk $0xffff, v58  }
0xec: {  	[tilespmem:s17+$0x13240] =	vst.add.f32.msk $0xffff, v55  }
0xed: {  	[tilespmem:s17+$0x13250] =	vst.add.f32.msk $0xffff, v56  }
0xee: {  	[tilespmem:s17+$0x12E70] =	vst.add.f32.msk $0xffff, v17  }
0xef: {  	[tilespmem:s17+$0x13600] =	vst.add.f32.msk $0xffff, v3  }
0xf0: {  	v3 =	vld [tilespmem:s17+$0x7660]  }
0xf1: {  	[tilespmem:s17+$0x12A00] =	vst.add.f32.msk $0xffff, v4  }
0xf2: {  	[tilespmem:s17+$0x13670] =	vst.add.f32.msk $0xffff, v63  }
0xf3: {  	s11 =	simm.s32 $0x1;
	[tilespmem:s17+$0x13640] =	vst.add.f32.msk $0xffff, v5  }
.LBB2_5:
0xf4: {  	s14 =	smov.u32 s11  }
0xf5: {  	s18 =	sshrl.u32 s11, $0x3;
	[tilespmem:s17+$0x13660] =	vst.add.f32.msk $0xffff, v3;
	s13 =	sadd.s32 $0x80, s13;
	s14 =	sadd.s32 $0x1, s11  }
0xf6: {  	p0 =	sne.s32 s11, $0xF;
	s17 =	smul.u32 $0x1800, s18;
	_ =	sdelay $0x1  }
0xf7: {  	s18 =	sand.u32 $0x380, s13;
	s17 =	sadd.s32 s9, s17  }
0xf8: {  	s11 =	sor.u32 s18, s17  }
0xf9: {  	v3 =	vld [tilespmem:s11+$0x6670]  }
0xfa: {  	v4 =	vld [tilespmem:s11+$0x6640]  }
0xfb: {  	v5 =	vld [tilespmem:s11+$0x6660]  }
0xfc: {  	v6 =	vld [tilespmem:s11+$0x6650]  }
0xfd: {  	v7 =	vld [tilespmem:s11+$0x6620]  }
0xfe: {  	v8 =	vld [tilespmem:s11+$0x6630]  }
0xff: {  	[tilespmem:s11+$0x12670] =	vst.add.f32.msk $0xffff, v3  }
0x100: {  	[tilespmem:s11+$0x12640] =	vst.add.f32.msk $0xffff, v4  }
0x101: {  	v3 =	vld [tilespmem:s11+$0x6610]  }
0x102: {  	[tilespmem:s11+$0x12660] =	vst.add.f32.msk $0xffff, v5  }
0x103: {  	v4 =	vld [tilespmem:s11+$0x6600]  }
0x104: {  	v5 =	vld [tilespmem:s11+$0x6250]  }
0x105: {  	[tilespmem:s11+$0x12650] =	vst.add.f32.msk $0xffff, v6  }
0x106: {  	v6 =	vld [tilespmem:s11+$0x6200]  }
0x107: {  	[tilespmem:s11+$0x12630] =	vst.add.f32.msk $0xffff, v8  }
0x108: {  	[tilespmem:s11+$0x12620] =	vst.add.f32.msk $0xffff, v7  }
0x109: {  	v7 =	vld [tilespmem:s11+$0x6210]  }
0x10a: {  	[tilespmem:s11+$0x12610] =	vst.add.f32.msk $0xffff, v3  }
0x10b: {  	v3 =	vld [tilespmem:s11+$0x6230]  }
0x10c: {  	v8 =	vld [tilespmem:s11+$0x6270]  }
0x10d: {  	[tilespmem:s11+$0x12600] =	vst.add.f32.msk $0xffff, v4  }
0x10e: {  	v4 =	vld [tilespmem:s11+$0x6260]  }
0x10f: {  	v9 =	vld [tilespmem:s11+$0x6220]  }
0x110: {  	[tilespmem:s11+$0x12250] =	vst.add.f32.msk $0xffff, v5  }
0x111: {  	[tilespmem:s11+$0x12210] =	vst.add.f32.msk $0xffff, v7  }
0x112: {  	v5 =	vld [tilespmem:s11+$0x6240]  }
0x113: {  	[tilespmem:s11+$0x12270] =	vst.add.f32.msk $0xffff, v8  }
0x114: {  	[tilespmem:s11+$0x12260] =	vst.add.f32.msk $0xffff, v4  }
0x115: {  	[tilespmem:s11+$0x12200] =	vst.add.f32.msk $0xffff, v6  }
0x116: {  	[tilespmem:s11+$0x12230] =	vst.add.f32.msk $0xffff, v3  }
0x117: {  	[tilespmem:s11+$0x12240] =	vst.add.f32.msk $0xffff, v5  }
0x118: {  	s17 =	sadd.s32 s18, s17;
	[tilespmem:s11+$0x12220] =	vst.add.f32.msk $0xffff, v9  }
0x119: {  	v4 =	vld [tilespmem:s17+$0x6A00]  }
0x11a: {  	v3 =	vld [tilespmem:s17+$0x6A10]  }
0x11b: {  	v5 =	vld [tilespmem:s17+$0x6A20]  }
0x11c: {  	v6 =	vld [tilespmem:s17+$0x6A30]  }
0x11d: {  	v7 =	vld [tilespmem:s17+$0x6A40]  }
0x11e: {  	v8 =	vld [tilespmem:s17+$0x6A50]  }
0x11f: {  	v9 =	vld [tilespmem:s17+$0x6A60]  }
0x120: {  	v10 =	vld [tilespmem:s17+$0x6A70]  }
0x121: {  	v11 =	vld [tilespmem:s17+$0x6E00]  }
0x122: {  	v12 =	vld [tilespmem:s17+$0x6E10]  }
0x123: {  	v13 =	vld [tilespmem:s17+$0x6E20]  }
0x124: {  	[tilespmem:s17+$0x12A60] =	vst.add.f32.msk $0xffff, v9  }
0x125: {  	v9 =	vld [tilespmem:s17+$0x6E30]  }
0x126: {  	v14 =	vld [tilespmem:s17+$0x6E40]  }
0x127: {  	v15 =	vld [tilespmem:s17+$0x6E50]  }
0x128: {  	v16 =	vld [tilespmem:s17+$0x6E60]  }
0x129: {  	v17 =	vld [tilespmem:s17+$0x6E70]  }
0x12a: {  	v18 =	vld [tilespmem:s17+$0x7200]  }
0x12b: {  	[tilespmem:s17+$0x12E40] =	vst.add.f32.msk $0xffff, v14  }
0x12c: {  	[tilespmem:s17+$0x12A70] =	vst.add.f32.msk $0xffff, v10  }
0x12d: {  	[tilespmem:s17+$0x12E50] =	vst.add.f32.msk $0xffff, v15  }
0x12e: {  	[tilespmem:s17+$0x12E60] =	vst.add.f32.msk $0xffff, v16  }
0x12f: {  	[tilespmem:s17+$0x13200] =	vst.add.f32.msk $0xffff, v18  }
0x130: {  	[tilespmem:s17+$0x12E20] =	vst.add.f32.msk $0xffff, v13  }
0x131: {  	v10 =	vld [tilespmem:s17+$0x7210]  }
0x132: {  	[tilespmem:s17+$0x12A30] =	vst.add.f32.msk $0xffff, v6  }
0x133: {  	v6 =	vld [tilespmem:s17+$0x7220]  }
0x134: {  	[tilespmem:s17+$0x12E00] =	vst.add.f32.msk $0xffff, v11  }
0x135: {  	[tilespmem:s17+$0x12E10] =	vst.add.f32.msk $0xffff, v12  }
0x136: {  	[tilespmem:s17+$0x13210] =	vst.add.f32.msk $0xffff, v10  }
0x137: {  	v10 =	vld [tilespmem:s17+$0x7230]  }
0x138: {  	[tilespmem:s17+$0x13220] =	vst.add.f32.msk $0xffff, v6  }
0x139: {  	[tilespmem:s17+$0x12A10] =	vst.add.f32.msk $0xffff, v3  }
0x13a: {  	v6 =	vld [tilespmem:s17+$0x7240]  }
0x13b: {  	v11 =	vld [tilespmem:s17+$0x7250]  }
0x13c: {  	[tilespmem:s17+$0x13230] =	vst.add.f32.msk $0xffff, v10  }
0x13d: {  	[tilespmem:s17+$0x12A40] =	vst.add.f32.msk $0xffff, v7  }
0x13e: {  	v7 =	vld [tilespmem:s17+$0x7260]  }
0x13f: {  	v10 =	vld [tilespmem:s17+$0x7270]  }
0x140: {  	v3 =	vld [tilespmem:s17+$0x7600]  }
0x141: {  	[tilespmem:s17+$0x12E30] =	vst.add.f32.msk $0xffff, v9  }
0x142: {  	v9 =	vld [tilespmem:s17+$0x7610]  }
0x143: {  	[tilespmem:s17+$0x12A50] =	vst.add.f32.msk $0xffff, v8  }
0x144: {  	v8 =	vld [tilespmem:s17+$0x7620]  }
0x145: {  	[tilespmem:s17+$0x13600] =	vst.add.f32.msk $0xffff, v3  }
0x146: {  	v12 =	vld [tilespmem:s17+$0x7630]  }
0x147: {  	[tilespmem:s17+$0x12A20] =	vst.add.f32.msk $0xffff, v5  }
0x148: {  	v5 =	vld [tilespmem:s17+$0x7640]  }
0x149: {  	[tilespmem:s17+$0x13620] =	vst.add.f32.msk $0xffff, v8  }
0x14a: {  	v8 =	vld [tilespmem:s17+$0x7650]  }
0x14b: {  	v3 =	vld [tilespmem:s17+$0x7660]  }
0x14c: {  	v13 =	vld [tilespmem:s17+$0x7670]  }
0x14d: {  	[tilespmem:s17+$0x13260] =	vst.add.f32.msk $0xffff, v7  }
0x14e: {  	[tilespmem:s17+$0x13640] =	vst.add.f32.msk $0xffff, v5  }
0x14f: {  	[tilespmem:s17+$0x13650] =	vst.add.f32.msk $0xffff, v8  }
0x150: {  	[tilespmem:s17+$0x13630] =	vst.add.f32.msk $0xffff, v12  }
0x151: {  	[tilespmem:s17+$0x13610] =	vst.add.f32.msk $0xffff, v9  }
0x152: {  	[tilespmem:s17+$0x13270] =	vst.add.f32.msk $0xffff, v10  }
.Ltmp1:
0x153: {  	[tilespmem:s17+$0x13240] =	vst.add.f32.msk $0xffff, v6;
	(pc) =	sbr.rel @p0 .LBB2_5-.Ltmp1, $4  }
0x154: {  	[tilespmem:s17+$0x13250] =	vst.add.f32.msk $0xffff, v11  }
0x155: {  	[tilespmem:s17+$0x12E70] =	vst.add.f32.msk $0xffff, v17  }
0x156: {  	[tilespmem:s17+$0x12A00] =	vst.add.f32.msk $0xffff, v4  }
0x157: {  	s11 =	smov.u32 s14;
	[tilespmem:s17+$0x13670] =	vst.add.f32.msk $0xffff, v13  }
0x158: {  	s24 =	sadd.s32 $0x1, s24  }
0x159: {  	p0 =	sne.s32 s24, $0x10  }
.Ltmp2:
0x15a: {  	_ = 	snop;
	(pc) =	sbr.rel @p0 .LBB2_2-.Ltmp2, $3  }
0x15b: {  	_ =	sdelay $0x1  }
0x15c: {  	[tilespmem:s17+$0x13660] =	vst.add.f32.msk $0xffff, v3;
	s9 =	sadd.s32 $0x12200, s9;
	s11 =	sadd.s32 $0x12, s25;
	s12 =	sadd.s32 s3, s12  }
0x15d: {  	[hbm4b:s12+s6] =	stream.linear.scatter [tilespmem:s9], [sflag:s11], $0x3000, $0x38;
	[tilespmem:$0x1E200] =	vst v63  }
0x15e: {  	_ =	swait.ge [sflag:s26], $0x3000  }
0x15f: {  	[sflag:s26] =	ssyncset.done $0x0  }
0x160: {  	[sflag:s26] =	ssyncadd.s32 $0xFFFFD000  }
0x161: {  	_ =	swait.ge [sflag:s28], $0x3000  }
0x162: {  	[sflag:s28] =	ssyncset.done $0x0  }
0x163: {  	[sflag:s28] =	ssyncadd.s32 $0xFFFFD000  }
0x164: {  	_ =	swait.ge [sflag:s29], $0x3000  }
0x165: {  	[sflag:s29] =	ssyncset.done $0x0  }
0x166: {  	[sflag:s29] =	ssyncadd.s32 $0xFFFFD000  }
0x167: {  	_ =	swait.ge [sflag:s31], $0x3000  }
0x168: {  	[sflag:s31] =	ssyncset.done $0x0  }
0x169: {  	[sflag:s31] =	ssyncadd.s32 $0xFFFFD000  }
0x16a: {  	_ =	swait.ge [sflag:s0], $0x3000  }
0x16b: {  	[sflag:s0] =	ssyncset.done $0x0  }
0x16c: {  	[sflag:s0] =	ssyncadd.s32 $0xFFFFD000  }
0x16d: {  	_ =	swait.ge [sflag:s4], $0x3000  }
0x16e: {  	[sflag:s4] =	ssyncset.done $0x0  }
0x16f: {  	[sflag:s4] =	ssyncadd.s32 $0xFFFFD000  }
0x170: {  	_ =	swait.ge [sflag:s19], $0x3000  }
0x171: {  	[sflag:s19] =	ssyncset.done $0x0  }
0x172: {  	[sflag:s19] =	ssyncadd.s32 $0xFFFFD000  }
0x173: {  	_ =	swait.ge [sflag:s20], $0x3000  }
0x174: {  	s21 =	sadd.s32 $0x1, s21;
	s9 =	rddreg [dreg:$0xc]  }
0x175: {  	p0 =	sne.s32 s21, s9  }
.Ltmp3:
0x176: {  	_ = 	snop;
	(pc) =	sbr.rel @p0 .LBB2_1-.Ltmp3, $3  }
0x177: {  	_ =	sdelay $0x1  }
0x178: {  	[sflag:s20] =	ssyncset.done $0x0  }
0x179: {  	[sflag:s20] =	ssyncadd.s32 $0xFFFFD000  }
0x17a: {  	_ =	sfence.sel $0x180000  }
0x17b: {  	[bflag:$0x0] =	sbarrier.arrive $0xFFFF  }
0x17c: {  	_ =	strace $0x90000047  }
0x17d: {  	s0 =	stileid.u32;
	[bflag:$0x2] =	sbarrier.arrive $0xFFFF  }
0x17e: {  	p0 =	sne.s32 s0, $0x0;
	s0 =	rddreg [dreg:$0x6]  }
0x17f: {  	s0 =	sadd.s32 @!p0 $0x100000, s0  }
0x180: {  	[sflag:s0] =	ssyncadd.tile.s32 @!p0 $0x1;
	_ =	shalt  }
.Lfunc_end2:
_tile_overlayer_lowered:
.L_overlay_start_2:
0x181: {  	(tag) =	ssettag $0x2  }
0x182: {  	s0 =	rddreg [dreg:$0x0];
	s2 =	stileid.u32  }
0x183: {  	s1 =	rddreg [dreg:$0x1];
	p0 =	sne.s32 s2, $0x0  }
0x184: {  	s3 =	rddreg [dreg:$0x2];
	[bflag:$0x3] =	sbarrier.arrive $0xFFFF;
	s2 =	simm.s32 @!p0 $0x1C16  }
0x185: {  	[timem:s3], [sflag:s2] =	dma.local @!p0 [hbm:s0], s1  }
0x186: {  	s0 =	simm.s32 @!p0 $0x16  }
0x187: {  	_ =	swait.ge @!p0 [sflag:s0], s1  }
0x188: {  	s1 =	ssub.s32 @!p0 $0x0, s1;
	[sflag:s0] =	ssyncset.done @!p0 $0x0  }
0x189: {  	[sflag:s0] =	ssyncadd.s32 @!p0 s1  }
0x18a: {  	[bflag:$0x3] =	sbarrier.arrive $0xFFFF  }
0x18b: {  	_ =	shalt  }

</sc_bundles>
